<compile_context>
chip_gen: v7x
topology: tpu7x:2x2x1
jax: 0.10.2.dev20260603
libtpu: 0.0.44.dev20260713+nightly
codegen_flags: <defaults>
</compile_context>

<pallas_src>
import jax
import jax.numpy as jnp
from jax import lax
from jax.experimental import pallas as pl
from jax.experimental.pallas import tpu as pltpu
from jax.experimental.pallas import tpu_sc as plsc

_BINS = 30
_MMT = 0.6
_B = 16384
_C = 64
_NC = 2
_NS = 16
_NW = _NC * _NS
_COLS = _B // _NW
_VPC = _COLS // 16
_HR, _HL = 32, 128


def _sc_body(pred_hbm, targ_hbm, out_hbm, pred_v, targ_v, hist_v, sem1, sem2):
    wid = lax.axis_index("s") * _NC + lax.axis_index("c")
    base = wid * _COLS
    half = _C // 2
    cp1 = pltpu.async_copy(
        pred_hbm.at[pl.ds(0, half), pl.ds(base, _COLS)],
        pred_v.at[pl.ds(0, half)], sem1)
    cp2 = pltpu.async_copy(
        targ_hbm.at[pl.ds(0, half), pl.ds(base, _COLS)],
        targ_v.at[pl.ds(0, half)], sem1)

    @plsc.parallel_loop(0, _HR * _HL // 16, unroll=8)
    def zero_body(i):
        hist_v[i // 8, pl.ds((i % 8) * 16, 16)] = jnp.zeros((16,), jnp.float32)

    cp1.wait()
    cp2.wait()
    cp3 = pltpu.async_copy(
        pred_hbm.at[pl.ds(half, half), pl.ds(base, _COLS)],
        pred_v.at[pl.ds(half, half)], sem2)
    cp4 = pltpu.async_copy(
        targ_hbm.at[pl.ds(half, half), pl.ds(base, _COLS)],
        targ_v.at[pl.ds(half, half)], sem2)

    ones = jnp.ones((16,), jnp.float32)

    def chunk(lo, hi):
        @plsc.parallel_loop(lo, hi, unroll=3)
        def body(i):
            c = i // _VPC
            off = (i % _VPC) * 16
            p = pred_v[c, pl.ds(off, 16)]
            t = targ_v[c, pl.ds(off, 16)].astype(jnp.float32)
            ap = jnp.abs(p)
            e = jnp.exp(-ap)
            inv = 1.0 / (1.0 + e)
            sg = jnp.where(p >= 0.0, inv, e * inv)
            g = jnp.abs(sg - t)
            b = jnp.minimum((g * float(_BINS)).astype(jnp.int32), _BINS - 1)
            z = e / (2.0 + e)
            z2 = z * z
            l1p = 2.0 * z * (1.0 + z2 * (1.0 / 3.0 + z2 * 0.2))
            bce = jnp.maximum(p, 0.0) - p * t + l1p
            idx = b + c * 64
            idx2 = idx + 32
            plsc.addupdate_scatter(
                hist_v, [lax.shift_right_logical(idx, 7), idx & 127], ones)
            plsc.addupdate_scatter(
                hist_v, [lax.shift_right_logical(idx2, 7), idx2 & 127], bce)

    chunk(0, _C * _VPC // 2)
    cp3.wait()
    cp4.wait()
    chunk(_C * _VPC // 2, _C * _VPC)

    pltpu.sync_copy(hist_v, out_hbm.at[wid])


_sc_hist = pl.kernel(
    _sc_body,
    out_type=jax.ShapeDtypeStruct((_NW, _HR, _HL), jnp.float32),
    mesh=plsc.VectorSubcoreMesh(core_axis_name="c", subcore_axis_name="s"),
    compiler_params=pltpu.CompilerParams(
        needs_layout_passes=False, use_tc_tiling_on_sc=True),
    scratch_types=[
        pltpu.VMEM((_C, _COLS), jnp.float32),
        pltpu.VMEM((_C, _COLS), jnp.int32),
        pltpu.VMEM((_HR, _HL), jnp.float32),
        pltpu.SemaphoreType.DMA,
        pltpu.SemaphoreType.DMA,
    ],
)


def _fin_body(hist_ref, acca_ref, accb_ref, out_ref):
    h = jnp.sum(hist_ref[...], axis=0)
    loss = jnp.float32(0.0)
    for k, acc in ((0, acca_ref), (1, accb_ref)):
        cnt = h[:, 64 * k:64 * k + 32]
        bsum = h[:, 64 * k + 32:64 * k + 64]
        nz = cnt > 0.0
        n = jnp.sum(nz.astype(jnp.float32), axis=1, keepdims=True)
        acc_new = _MMT * acc[...] + (1.0 - _MMT) * cnt
        w = jnp.where(nz, bsum / jnp.where(nz, acc_new, 1.0), 0.0)
        per_c = jnp.sum(w, axis=1, keepdims=True) / jnp.maximum(n, 1.0)
        loss = loss + jnp.sum(per_c)
    out_ref[...] = (loss / float(_C))[None, None]


_finalize = pl.pallas_call(
    _fin_body,
    out_shape=jax.ShapeDtypeStruct((1, 1), jnp.float32),
)


def kernel(pred, target, acc_sum):
    hist = _sc_hist(pred.T, target.T)
    acc_pad = jnp.pad(acc_sum, ((0, 0), (0, 32 - _BINS)))
    return _finalize(hist, acc_pad[0::2], acc_pad[1::2])[0, 0]

# --- scband reference (transcript-rebuilt; emitter-appended) ---
"""Pipeline reference for scband-ghmcloss-17987323036120 (READ-ONLY COPY).

The authoritative reference and input builder live on the scoring server;
editing this copy changes nothing except your own understanding.
"""

import jax, jax.numpy as jnp
import numpy as np

BINS = 30
MMT = 0.6
BATCH = 16384
CLASS_NUM = 64


def setup_inputs(seed: int = 0) -> dict:
    key = jax.random.key(seed)
    k1, k2 = jax.random.split(key)
    pred = jax.random.normal(k1, (BATCH, CLASS_NUM), dtype=jnp.float32)
    target = jax.random.randint(k2, (BATCH, CLASS_NUM), 0, 2, dtype=jnp.int32)
    # momentum accumulator buffer (acc_sum in the torch module), shape [attribute_num, bins]
    acc_sum = jnp.zeros((CLASS_NUM, BINS), dtype=jnp.float32)
    return {"pred": pred, "target": target, "acc_sum": acc_sum}


def reference(pred, target, acc_sum):
    bins = BINS
    mmt = MMT
    batch_size, class_num = target.shape
    t = target.astype(jnp.float32)
    # gradient density g, detached as in the torch code
    g = jax.lax.stop_gradient(jnp.abs(jax.nn.sigmoid(pred) - t))
    # edges are uniform: edges[i] = i/bins (last edge padded by 1e-6), so binning == floor(g*bins)
    bin_idx = jnp.clip(jnp.floor(g * bins).astype(jnp.int32), 0, bins - 1)  # [B, C]
    onehot = jax.nn.one_hot(bin_idx, bins, dtype=jnp.float32)  # [B, C, bins]
    num_in_bin = onehot.sum(axis=0)  # [C, bins] -> per-class histogram
    # momentum update of acc_sum, only for non-empty bins
    acc_new = jnp.where(num_in_bin > 0, mmt * acc_sum + (1.0 - mmt) * num_in_bin, acc_sum)
    # each element's bin is non-empty (it contains itself), so weight = batch_size / acc_new[j, bin]
    denom = acc_new[jnp.arange(class_num)[None, :], bin_idx]  # [B, C] gather
    weights = batch_size / denom
    # n[j] = number of non-empty bins for class j
    n = (num_in_bin > 0).sum(axis=1).astype(jnp.float32)  # [C]
    weights = weights / jnp.where(n > 0, n, 1.0)[None, :]
    weights = jax.lax.stop_gradient(weights)
    # BCEWithLogitsLoss, reduction='none'
    bce = jnp.maximum(pred, 0.0) - pred * t + jnp.log1p(jnp.exp(-jnp.abs(pred)))
    loss = (bce * weights).mean()
    return loss

if __name__ == "__main__":
    import jax
    _d = setup_inputs()
    print(jax.jit(kernel)(*tuple(_d.values())))

</pallas_src>

<mosaic_0001>
#map = affine_map<(d0, d1) -> (0, 0)>
#map1 = affine_map<(d0, d1) -> (0, 0, 0)>
module attributes {stable_mosaic.version = 14 : i64} {
  func.func @_sc_body(%arg0: i32, %arg1: i32, %arg2: memref<64x16384xf32, #tpu.memory_space<hbm>>, %arg3: memref<64x16384xi32, #tpu.memory_space<hbm>>, %arg4: memref<32x32x128xf32, #tpu.memory_space<hbm>>, %arg5: memref<64x512xf32, #tpu.memory_space<vmem>>, %arg6: memref<64x512xi32, #tpu.memory_space<vmem>>, %arg7: memref<32x128xf32, #tpu.memory_space<vmem>>, %arg8: memref<!tpu.dma_semaphore, #tpu.memory_space<semaphore_mem>>, %arg9: memref<!tpu.dma_semaphore, #tpu.memory_space<semaphore_mem>>) attributes {dimension_semantics = [#tpu.dimension_semantics<core_parallel>, #tpu.dimension_semantics<subcore_parallel>], iteration_bounds = array<i64: 2, 16>, scalar_prefetch = 0 : i64, scratch_operands = 5 : i64, tpu.core_type = #tpu.core_type<sc_vector_subcore>, window_params = [{transform_indices = #map}, {transform_indices = #map}, {transform_indices = #map1}]} {
    %mul3A = arith.constant 2 : i32
    %mul3A_0 = arith.muli %arg1, %mul3A : i32
    %add3A = arith.addi %mul3A_0, %arg0 : i32
    %mul3A_1 = arith.constant 512 : i32
    %mul3A_2 = arith.muli %add3A, %mul3A_1 : i32
    %dma_start3A = arith.constant 0 : i32
    %dma_start3A_3 = arith.constant 0 : i32
    %dma_start3A_4 = tpu.memref_slice %arg5[%dma_start3A, %dma_start3A_3] : memref<64x512xf32, #tpu.memory_space<vmem>> -> memref<32x512xf32, #tpu.memory_space<vmem>>
    %dma_start3A_5 = arith.constant 0 : i32
    %dma_start3A_6 = tpu.memref_slice %arg2[%dma_start3A_5, %mul3A_2] : memref<64x16384xf32, #tpu.memory_space<hbm>> -> memref<32x512xf32, #tpu.memory_space<hbm>>
    %dma_start3A_7 = arith.constant 0 : i32
    %dma_start3A_8 = arith.constant 0 : i32
    %dma_start3A_9 = tpu.memref_slice %arg5[%dma_start3A_7, %dma_start3A_8] : memref<64x512xf32, #tpu.memory_space<vmem>> -> memref<32x512xf32, #tpu.memory_space<vmem>>
    %dma_start3A_10 = arith.constant 0 : i32
    %dma_start3A_11 = tpu.memref_slice %arg2[%dma_start3A_10, %mul3A_2] : memref<64x16384xf32, #tpu.memory_space<hbm>> -> memref<32x512xf32, #tpu.memory_space<hbm>>
    tpu.enqueue_dma source(%dma_start3A_11 : memref<32x512xf32, #tpu.memory_space<hbm>>) target(%dma_start3A_9 : memref<32x512xf32, #tpu.memory_space<vmem>>) target_semaphore(%arg8 : memref<!tpu.dma_semaphore, #tpu.memory_space<semaphore_mem>>)
    %dma_start3A_12 = arith.constant 0 : i32
    %dma_start3A_13 = arith.constant 0 : i32
    %dma_start3A_14 = tpu.memref_slice %arg6[%dma_start3A_12, %dma_start3A_13] : memref<64x512xi32, #tpu.memory_space<vmem>> -> memref<32x512xi32, #tpu.memory_space<vmem>>
    %dma_start3A_15 = arith.constant 0 : i32
    %dma_start3A_16 = tpu.memref_slice %arg3[%dma_start3A_15, %mul3A_2] : memref<64x16384xi32, #tpu.memory_space<hbm>> -> memref<32x512xi32, #tpu.memory_space<hbm>>
    %dma_start3A_17 = arith.constant 0 : i32
    %dma_start3A_18 = arith.constant 0 : i32
    %dma_start3A_19 = tpu.memref_slice %arg6[%dma_start3A_17, %dma_start3A_18] : memref<64x512xi32, #tpu.memory_space<vmem>> -> memref<32x512xi32, #tpu.memory_space<vmem>>
    %dma_start3A_20 = arith.constant 0 : i32
    %dma_start3A_21 = tpu.memref_slice %arg3[%dma_start3A_20, %mul3A_2] : memref<64x16384xi32, #tpu.memory_space<hbm>> -> memref<32x512xi32, #tpu.memory_space<hbm>>
    tpu.enqueue_dma source(%dma_start3A_21 : memref<32x512xi32, #tpu.memory_space<hbm>>) target(%dma_start3A_19 : memref<32x512xi32, #tpu.memory_space<vmem>>) target_semaphore(%arg8 : memref<!tpu.dma_semaphore, #tpu.memory_space<semaphore_mem>>)
    %parallel_loop3A = arith.constant 0 : i32
    %parallel_loop3A_22 = arith.constant 256 : i32
    %parallel_loop3A_23 = arith.constant 1 : i32
    scf.for %parallel_loop3A_90 = %parallel_loop3A to %parallel_loop3A_22 step %parallel_loop3A_23  : i32 {
      %parallel_loop3A_91 = arith.constant 0.000000e+00 : f32
      %parallel_loop3A_92 = vector.broadcast %parallel_loop3A_91 : f32 to vector<16xf32>
      %parallel_loop3A_93 = arith.constant 8 : i32
      %parallel_loop3A_94 = arith.divsi %parallel_loop3A_90, %parallel_loop3A_93 : i32
      %parallel_loop3A_95 = arith.constant 0 : i32
      %parallel_loop3A_96 = arith.cmpi sgt, %parallel_loop3A_90, %parallel_loop3A_95 : i32
      %parallel_loop3A_97 = arith.extui %parallel_loop3A_96 : i1 to i32
      %parallel_loop3A_98 = arith.constant 0 : i32
      %parallel_loop3A_99 = arith.cmpi slt, %parallel_loop3A_90, %parallel_loop3A_98 : i32
      %parallel_loop3A_100 = arith.extui %parallel_loop3A_99 : i1 to i32
      %parallel_loop3A_101 = arith.subi %parallel_loop3A_97, %parallel_loop3A_100 : i32
      %parallel_loop3A_102 = arith.constant 0 : i32
      %parallel_loop3A_103 = arith.cmpi sgt, %parallel_loop3A_93, %parallel_loop3A_102 : i32
      %parallel_loop3A_104 = arith.extui %parallel_loop3A_103 : i1 to i32
      %parallel_loop3A_105 = arith.constant 0 : i32
      %parallel_loop3A_106 = arith.cmpi slt, %parallel_loop3A_93, %parallel_loop3A_105 : i32
      %parallel_loop3A_107 = arith.extui %parallel_loop3A_106 : i1 to i32
      %parallel_loop3A_108 = arith.subi %parallel_loop3A_104, %parallel_loop3A_107 : i32
      %parallel_loop3A_109 = arith.cmpi ne, %parallel_loop3A_101, %parallel_loop3A_108 : i32
      %parallel_loop3A_110 = arith.remsi %parallel_loop3A_90, %parallel_loop3A_93 : i32
      %parallel_loop3A_111 = arith.constant 0 : i32
      %parallel_loop3A_112 = arith.cmpi ne, %parallel_loop3A_110, %parallel_loop3A_111 : i32
      %parallel_loop3A_113 = arith.andi %parallel_loop3A_109, %parallel_loop3A_112 : i1
      %parallel_loop3A_114 = arith.constant 1 : i32
      %parallel_loop3A_115 = arith.subi %parallel_loop3A_94, %parallel_loop3A_114 : i32
      %parallel_loop3A_116 = arith.select %parallel_loop3A_113, %parallel_loop3A_115, %parallel_loop3A_94 : i32
      %parallel_loop3A_117 = arith.constant 8 : i32
      %parallel_loop3A_118 = arith.constant 0 : i32
      %parallel_loop3A_119 = arith.cmpi eq, %parallel_loop3A_117, %parallel_loop3A_118 : i32
      %parallel_loop3A_120 = arith.constant 1 : i32
      %parallel_loop3A_121 = arith.select %parallel_loop3A_119, %parallel_loop3A_120, %parallel_loop3A_117 : i32
      %parallel_loop3A_122 = arith.remsi %parallel_loop3A_90, %parallel_loop3A_121 : i32
      %parallel_loop3A_123 = arith.constant 0 : i32
      %parallel_loop3A_124 = arith.cmpi ne, %parallel_loop3A_122, %parallel_loop3A_123 : i32
      %parallel_loop3A_125 = arith.constant 0 : i32
      %parallel_loop3A_126 = arith.cmpi slt, %parallel_loop3A_122, %parallel_loop3A_125 : i32
      %parallel_loop3A_127 = arith.constant 0 : i32
      %parallel_loop3A_128 = arith.cmpi slt, %parallel_loop3A_121, %parallel_loop3A_127 : i32
      %parallel_loop3A_129 = arith.xori %parallel_loop3A_126, %parallel_loop3A_128 : i1
      %parallel_loop3A_130 = arith.andi %parallel_loop3A_129, %parallel_loop3A_124 : i1
      %parallel_loop3A_131 = arith.addi %parallel_loop3A_122, %parallel_loop3A_121 : i32
      %parallel_loop3A_132 = arith.select %parallel_loop3A_130, %parallel_loop3A_131, %parallel_loop3A_122 : i32
      %parallel_loop3A_133 = arith.constant 16 : i32
      %parallel_loop3A_134 = arith.muli %parallel_loop3A_132, %parallel_loop3A_133 : i32
      %parallel_loop3A_135 = arith.index_cast %parallel_loop3A_116 : i32 to index
      %parallel_loop3A_136 = arith.index_cast %parallel_loop3A_134 : i32 to index
      %parallel_loop3A_137 = tpu.vector_load %arg7[%parallel_loop3A_135, %parallel_loop3A_136] {strides = array<i32>} : memref<32x128xf32, #tpu.memory_space<vmem>>, vector<16xf32>,
      tpu.vector_store %arg7[%parallel_loop3A_135, %parallel_loop3A_136], %parallel_loop3A_92 {strides = array<i32>} : memref<32x128xf32, #tpu.memory_space<vmem>>, vector<16xf32>,
    } {sc.loop_unroll_factor = 8 : i64, sc.parallel_access}
    %dma_wait3A = arith.constant 0 : i32
    %dma_wait3A_24 = arith.constant 0 : i32
    %dma_wait3A_25 = tpu.memref_slice %arg5[%dma_wait3A, %dma_wait3A_24] : memref<64x512xf32, #tpu.memory_space<vmem>> -> memref<32x512xf32, #tpu.memory_space<vmem>>
    %dma_wait3A_26 = arith.constant 0 : i32
    %dma_wait3A_27 = tpu.memref_slice %arg2[%dma_wait3A_26, %mul3A_2] : memref<64x16384xf32, #tpu.memory_space<hbm>> -> memref<32x512xf32, #tpu.memory_space<hbm>>
    %dma_wait3A_28 = arith.constant 0 : i32
    %dma_wait3A_29 = arith.constant 0 : i32
    %dma_wait3A_30 = tpu.memref_slice %arg5[%dma_wait3A_28, %dma_wait3A_29] : memref<64x512xf32, #tpu.memory_space<vmem>> -> memref<32x512xf32, #tpu.memory_space<vmem>>
    %dma_wait3A_31 = arith.constant 0 : i32
    %dma_wait3A_32 = tpu.memref_slice %arg2[%dma_wait3A_31, %mul3A_2] : memref<64x16384xf32, #tpu.memory_space<hbm>> -> memref<32x512xf32, #tpu.memory_space<hbm>>
    tpu.wait_dma2 semaphore(%arg8 : memref<!tpu.dma_semaphore, #tpu.memory_space<semaphore_mem>>) src(%dma_wait3A_32 : memref<32x512xf32, #tpu.memory_space<hbm>>) dst(%dma_wait3A_30 : memref<32x512xf32, #tpu.memory_space<vmem>>)
    %dma_wait3A_33 = arith.constant 0 : i32
    %dma_wait3A_34 = arith.constant 0 : i32
    %dma_wait3A_35 = tpu.memref_slice %arg6[%dma_wait3A_33, %dma_wait3A_34] : memref<64x512xi32, #tpu.memory_space<vmem>> -> memref<32x512xi32, #tpu.memory_space<vmem>>
    %dma_wait3A_36 = arith.constant 0 : i32
    %dma_wait3A_37 = tpu.memref_slice %arg3[%dma_wait3A_36, %mul3A_2] : memref<64x16384xi32, #tpu.memory_space<hbm>> -> memref<32x512xi32, #tpu.memory_space<hbm>>
    %dma_wait3A_38 = arith.constant 0 : i32
    %dma_wait3A_39 = arith.constant 0 : i32
    %dma_wait3A_40 = tpu.memref_slice %arg6[%dma_wait3A_38, %dma_wait3A_39] : memref<64x512xi32, #tpu.memory_space<vmem>> -> memref<32x512xi32, #tpu.memory_space<vmem>>
    %dma_wait3A_41 = arith.constant 0 : i32
    %dma_wait3A_42 = tpu.memref_slice %arg3[%dma_wait3A_41, %mul3A_2] : memref<64x16384xi32, #tpu.memory_space<hbm>> -> memref<32x512xi32, #tpu.memory_space<hbm>>
    tpu.wait_dma2 semaphore(%arg8 : memref<!tpu.dma_semaphore, #tpu.memory_space<semaphore_mem>>) src(%dma_wait3A_42 : memref<32x512xi32, #tpu.memory_space<hbm>>) dst(%dma_wait3A_40 : memref<32x512xi32, #tpu.memory_space<vmem>>)
    %dma_start3A_43 = arith.constant 32 : i32
    %dma_start3A_44 = arith.constant 0 : i32
    %dma_start3A_45 = tpu.memref_slice %arg5[%dma_start3A_43, %dma_start3A_44] : memref<64x512xf32, #tpu.memory_space<vmem>> -> memref<32x512xf32, #tpu.memory_space<vmem>>
    %dma_start3A_46 = arith.constant 32 : i32
    %dma_start3A_47 = tpu.memref_slice %arg2[%dma_start3A_46, %mul3A_2] : memref<64x16384xf32, #tpu.memory_space<hbm>> -> memref<32x512xf32, #tpu.memory_space<hbm>>
    %dma_start3A_48 = arith.constant 32 : i32
    %dma_start3A_49 = arith.constant 0 : i32
    %dma_start3A_50 = tpu.memref_slice %arg5[%dma_start3A_48, %dma_start3A_49] : memref<64x512xf32, #tpu.memory_space<vmem>> -> memref<32x512xf32, #tpu.memory_space<vmem>>
    %dma_start3A_51 = arith.constant 32 : i32
    %dma_start3A_52 = tpu.memref_slice %arg2[%dma_start3A_51, %mul3A_2] : memref<64x16384xf32, #tpu.memory_space<hbm>> -> memref<32x512xf32, #tpu.memory_space<hbm>>
    tpu.enqueue_dma source(%dma_start3A_52 : memref<32x512xf32, #tpu.memory_space<hbm>>) target(%dma_start3A_50 : memref<32x512xf32, #tpu.memory_space<vmem>>) target_semaphore(%arg9 : memref<!tpu.dma_semaphore, #tpu.memory_space<semaphore_mem>>)
    %dma_start3A_53 = arith.constant 32 : i32
    %dma_start3A_54 = arith.constant 0 : i32
    %dma_start3A_55 = tpu.memref_slice %arg6[%dma_start3A_53, %dma_start3A_54] : memref<64x512xi32, #tpu.memory_space<vmem>> -> memref<32x512xi32, #tpu.memory_space<vmem>>
    %dma_start3A_56 = arith.constant 32 : i32
    %dma_start3A_57 = tpu.memref_slice %arg3[%dma_start3A_56, %mul3A_2] : memref<64x16384xi32, #tpu.memory_space<hbm>> -> memref<32x512xi32, #tpu.memory_space<hbm>>
    %dma_start3A_58 = arith.constant 32 : i32
    %dma_start3A_59 = arith.constant 0 : i32
    %dma_start3A_60 = tpu.memref_slice %arg6[%dma_start3A_58, %dma_start3A_59] : memref<64x512xi32, #tpu.memory_space<vmem>> -> memref<32x512xi32, #tpu.memory_space<vmem>>
    %dma_start3A_61 = arith.constant 32 : i32
    %dma_start3A_62 = tpu.memref_slice %arg3[%dma_start3A_61, %mul3A_2] : memref<64x16384xi32, #tpu.memory_space<hbm>> -> memref<32x512xi32, #tpu.memory_space<hbm>>
    tpu.enqueue_dma source(%dma_start3A_62 : memref<32x512xi32, #tpu.memory_space<hbm>>) target(%dma_start3A_60 : memref<32x512xi32, #tpu.memory_space<vmem>>) target_semaphore(%arg9 : memref<!tpu.dma_semaphore, #tpu.memory_space<semaphore_mem>>)
    %broadcast_in_dim3A = arith.constant 1.000000e+00 : f32
    %broadcast_in_dim3A_63 = vector.broadcast %broadcast_in_dim3A : f32 to vector<16xf32>
    %parallel_loop3A_64 = arith.constant 0 : i32
    %parallel_loop3A_65 = arith.constant 1024 : i32
    %parallel_loop3A_66 = arith.constant 1 : i32
    scf.for %parallel_loop3A_90 = %parallel_loop3A_64 to %parallel_loop3A_65 step %parallel_loop3A_66  : i32 {
      %parallel_loop3A_91 = arith.constant 32 : i32
      %parallel_loop3A_92 = arith.divsi %parallel_loop3A_90, %parallel_loop3A_91 : i32
      %parallel_loop3A_93 = arith.constant 0 : i32
      %parallel_loop3A_94 = arith.cmpi sgt, %parallel_loop3A_90, %parallel_loop3A_93 : i32
      %parallel_loop3A_95 = arith.extui %parallel_loop3A_94 : i1 to i32
      %parallel_loop3A_96 = arith.constant 0 : i32
      %parallel_loop3A_97 = arith.cmpi slt, %parallel_loop3A_90, %parallel_loop3A_96 : i32
      %parallel_loop3A_98 = arith.extui %parallel_loop3A_97 : i1 to i32
      %parallel_loop3A_99 = arith.subi %parallel_loop3A_95, %parallel_loop3A_98 : i32
      %parallel_loop3A_100 = arith.constant 0 : i32
      %parallel_loop3A_101 = arith.cmpi sgt, %parallel_loop3A_91, %parallel_loop3A_100 : i32
      %parallel_loop3A_102 = arith.extui %parallel_loop3A_101 : i1 to i32
      %parallel_loop3A_103 = arith.constant 0 : i32
      %parallel_loop3A_104 = arith.cmpi slt, %parallel_loop3A_91, %parallel_loop3A_103 : i32
      %parallel_loop3A_105 = arith.extui %parallel_loop3A_104 : i1 to i32
      %parallel_loop3A_106 = arith.subi %parallel_loop3A_102, %parallel_loop3A_105 : i32
      %parallel_loop3A_107 = arith.cmpi ne, %parallel_loop3A_99, %parallel_loop3A_106 : i32
      %parallel_loop3A_108 = arith.remsi %parallel_loop3A_90, %parallel_loop3A_91 : i32
      %parallel_loop3A_109 = arith.constant 0 : i32
      %parallel_loop3A_110 = arith.cmpi ne, %parallel_loop3A_108, %parallel_loop3A_109 : i32
      %parallel_loop3A_111 = arith.andi %parallel_loop3A_107, %parallel_loop3A_110 : i1
      %parallel_loop3A_112 = arith.constant 1 : i32
      %parallel_loop3A_113 = arith.subi %parallel_loop3A_92, %parallel_loop3A_112 : i32
      %parallel_loop3A_114 = arith.select %parallel_loop3A_111, %parallel_loop3A_113, %parallel_loop3A_92 : i32
      %parallel_loop3A_115 = arith.constant 32 : i32
      %parallel_loop3A_116 = arith.constant 0 : i32
      %parallel_loop3A_117 = arith.cmpi eq, %parallel_loop3A_115, %parallel_loop3A_116 : i32
      %parallel_loop3A_118 = arith.constant 1 : i32
      %parallel_loop3A_119 = arith.select %parallel_loop3A_117, %parallel_loop3A_118, %parallel_loop3A_115 : i32
      %parallel_loop3A_120 = arith.remsi %parallel_loop3A_90, %parallel_loop3A_119 : i32
      %parallel_loop3A_121 = arith.constant 0 : i32
      %parallel_loop3A_122 = arith.cmpi ne, %parallel_loop3A_120, %parallel_loop3A_121 : i32
      %parallel_loop3A_123 = arith.constant 0 : i32
      %parallel_loop3A_124 = arith.cmpi slt, %parallel_loop3A_120, %parallel_loop3A_123 : i32
      %parallel_loop3A_125 = arith.constant 0 : i32
      %parallel_loop3A_126 = arith.cmpi slt, %parallel_loop3A_119, %parallel_loop3A_125 : i32
      %parallel_loop3A_127 = arith.xori %parallel_loop3A_124, %parallel_loop3A_126 : i1
      %parallel_loop3A_128 = arith.andi %parallel_loop3A_127, %parallel_loop3A_122 : i1
      %parallel_loop3A_129 = arith.addi %parallel_loop3A_120, %parallel_loop3A_119 : i32
      %parallel_loop3A_130 = arith.select %parallel_loop3A_128, %parallel_loop3A_129, %parallel_loop3A_120 : i32
      %parallel_loop3A_131 = arith.constant 16 : i32
      %parallel_loop3A_132 = arith.muli %parallel_loop3A_130, %parallel_loop3A_131 : i32
      %parallel_loop3A_133 = arith.index_cast %parallel_loop3A_114 : i32 to index
      %parallel_loop3A_134 = arith.index_cast %parallel_loop3A_132 : i32 to index
      %parallel_loop3A_135 = tpu.vector_load %arg5[%parallel_loop3A_133, %parallel_loop3A_134] {strides = array<i32>} : memref<64x512xf32, #tpu.memory_space<vmem>>, vector<16xf32>,
      %parallel_loop3A_136 = arith.index_cast %parallel_loop3A_114 : i32 to index
      %parallel_loop3A_137 = arith.index_cast %parallel_loop3A_132 : i32 to index
      %parallel_loop3A_138 = tpu.vector_load %arg6[%parallel_loop3A_136, %parallel_loop3A_137] {strides = array<i32>} : memref<64x512xi32, #tpu.memory_space<vmem>>, vector<16xi32>,
      %parallel_loop3A_139 = arith.sitofp %parallel_loop3A_138 : vector<16xi32> to vector<16xf32>
      %parallel_loop3A_140 = math.absf %parallel_loop3A_135 : vector<16xf32>
      %parallel_loop3A_141 = arith.constant 0.000000e+00 : f32
      %parallel_loop3A_142 = vector.broadcast %parallel_loop3A_141 : f32 to vector<16xf32>
      %parallel_loop3A_143 = arith.subf %parallel_loop3A_142, %parallel_loop3A_140 : vector<16xf32>
      %parallel_loop3A_144 = math.exp %parallel_loop3A_143 : vector<16xf32>
      %parallel_loop3A_145 = arith.constant 1.000000e+00 : f32
      %parallel_loop3A_146 = vector.broadcast %parallel_loop3A_145 : f32 to vector<16xf32>
      %parallel_loop3A_147 = arith.addf %parallel_loop3A_146, %parallel_loop3A_144 : vector<16xf32>
      %parallel_loop3A_148 = arith.constant 1.000000e+00 : f32
      %parallel_loop3A_149 = vector.broadcast %parallel_loop3A_148 : f32 to vector<16xf32>
      %parallel_loop3A_150 = arith.divf %parallel_loop3A_149, %parallel_loop3A_147 : vector<16xf32>
      %parallel_loop3A_151 = arith.constant 0.000000e+00 : f32
      %parallel_loop3A_152 = vector.broadcast %parallel_loop3A_151 : f32 to vector<16xf32>
      %parallel_loop3A_153 = arith.cmpf oge, %parallel_loop3A_135, %parallel_loop3A_152 : vector<16xf32>
      %parallel_loop3A_154 = arith.mulf %parallel_loop3A_144, %parallel_loop3A_150 : vector<16xf32>
      %parallel_loop3A_155 = arith.select %parallel_loop3A_153, %parallel_loop3A_150, %parallel_loop3A_154 : vector<16xi1>, vector<16xf32>
      %parallel_loop3A_156 = arith.subf %parallel_loop3A_155, %parallel_loop3A_139 : vector<16xf32>
      %parallel_loop3A_157 = math.absf %parallel_loop3A_156 : vector<16xf32>
      %parallel_loop3A_158 = arith.constant 3.000000e+01 : f32
      %parallel_loop3A_159 = vector.broadcast %parallel_loop3A_158 : f32 to vector<16xf32>
      %parallel_loop3A_160 = arith.mulf %parallel_loop3A_157, %parallel_loop3A_159 : vector<16xf32>
      %parallel_loop3A_161 = arith.fptosi %parallel_loop3A_160 : vector<16xf32> to vector<16xi32>
      %parallel_loop3A_162 = arith.constant 29 : i32
      %parallel_loop3A_163 = vector.broadcast %parallel_loop3A_162 : i32 to vector<16xi32>
      %parallel_loop3A_164 = arith.minsi %parallel_loop3A_161, %parallel_loop3A_163 : vector<16xi32>
      %parallel_loop3A_165 = arith.constant 2.000000e+00 : f32
      %parallel_loop3A_166 = vector.broadcast %parallel_loop3A_165 : f32 to vector<16xf32>
      %parallel_loop3A_167 = arith.addf %parallel_loop3A_166, %parallel_loop3A_144 : vector<16xf32>
      %parallel_loop3A_168 = arith.divf %parallel_loop3A_144, %parallel_loop3A_167 : vector<16xf32>
      %parallel_loop3A_169 = arith.mulf %parallel_loop3A_168, %parallel_loop3A_168 : vector<16xf32>
      %parallel_loop3A_170 = arith.constant 2.000000e+00 : f32
      %parallel_loop3A_171 = vector.broadcast %parallel_loop3A_170 : f32 to vector<16xf32>
      %parallel_loop3A_172 = arith.mulf %parallel_loop3A_171, %parallel_loop3A_168 : vector<16xf32>
      %parallel_loop3A_173 = arith.constant 2.000000e-01 : f32
      %parallel_loop3A_174 = vector.broadcast %parallel_loop3A_173 : f32 to vector<16xf32>
      %parallel_loop3A_175 = arith.mulf %parallel_loop3A_169, %parallel_loop3A_174 : vector<16xf32>
      %parallel_loop3A_176 = arith.constant 0.333333343 : f32
      %parallel_loop3A_177 = vector.broadcast %parallel_loop3A_176 : f32 to vector<16xf32>
      %parallel_loop3A_178 = arith.addf %parallel_loop3A_177, %parallel_loop3A_175 : vector<16xf32>
      %parallel_loop3A_179 = arith.mulf %parallel_loop3A_169, %parallel_loop3A_178 : vector<16xf32>
      %parallel_loop3A_180 = arith.constant 1.000000e+00 : f32
      %parallel_loop3A_181 = vector.broadcast %parallel_loop3A_180 : f32 to vector<16xf32>
      %parallel_loop3A_182 = arith.addf %parallel_loop3A_181, %parallel_loop3A_179 : vector<16xf32>
      %parallel_loop3A_183 = arith.mulf %parallel_loop3A_172, %parallel_loop3A_182 : vector<16xf32>
      %parallel_loop3A_184 = arith.constant 0.000000e+00 : f32
      %parallel_loop3A_185 = vector.broadcast %parallel_loop3A_184 : f32 to vector<16xf32>
      %parallel_loop3A_186 = arith.maximumf %parallel_loop3A_135, %parallel_loop3A_185 : vector<16xf32>
      %parallel_loop3A_187 = arith.mulf %parallel_loop3A_135, %parallel_loop3A_139 : vector<16xf32>
      %parallel_loop3A_188 = arith.subf %parallel_loop3A_186, %parallel_loop3A_187 : vector<16xf32>
      %parallel_loop3A_189 = arith.addf %parallel_loop3A_188, %parallel_loop3A_183 : vector<16xf32>
      %parallel_loop3A_190 = arith.constant 64 : i32
      %parallel_loop3A_191 = arith.muli %parallel_loop3A_114, %parallel_loop3A_190 : i32
      %parallel_loop3A_192 = vector.broadcast %parallel_loop3A_191 : i32 to vector<16xi32>
      %parallel_loop3A_193 = arith.addi %parallel_loop3A_164, %parallel_loop3A_192 : vector<16xi32>
      %parallel_loop3A_194 = arith.constant 32 : i32
      %parallel_loop3A_195 = vector.broadcast %parallel_loop3A_194 : i32 to vector<16xi32>
      %parallel_loop3A_196 = arith.addi %parallel_loop3A_193, %parallel_loop3A_195 : vector<16xi32>
      %parallel_loop3A_197 = arith.constant 7 : i32
      %parallel_loop3A_198 = vector.broadcast %parallel_loop3A_197 : i32 to vector<16xi32>
      %parallel_loop3A_199 = arith.shrui %parallel_loop3A_193, %parallel_loop3A_198 : vector<16xi32>
      %parallel_loop3A_200 = arith.constant 127 : i32
      %parallel_loop3A_201 = vector.broadcast %parallel_loop3A_200 : i32 to vector<16xi32>
      %parallel_loop3A_202 = arith.andi %parallel_loop3A_193, %parallel_loop3A_201 : vector<16xi32>
      tpu.vector_store_idx %arg7[%parallel_loop3A_199, %parallel_loop3A_202], %broadcast_in_dim3A_63 {add = true} : memref<32x128xf32, #tpu.memory_space<vmem>>[vector<16xi32>, vector<16xi32>], vector<16xf32>,
      %parallel_loop3A_203 = arith.constant 7 : i32
      %parallel_loop3A_204 = vector.broadcast %parallel_loop3A_203 : i32 to vector<16xi32>
      %parallel_loop3A_205 = arith.shrui %parallel_loop3A_196, %parallel_loop3A_204 : vector<16xi32>
      %parallel_loop3A_206 = arith.constant 127 : i32
      %parallel_loop3A_207 = vector.broadcast %parallel_loop3A_206 : i32 to vector<16xi32>
      %parallel_loop3A_208 = arith.andi %parallel_loop3A_196, %parallel_loop3A_207 : vector<16xi32>
      tpu.vector_store_idx %arg7[%parallel_loop3A_205, %parallel_loop3A_208], %parallel_loop3A_189 {add = true} : memref<32x128xf32, #tpu.memory_space<vmem>>[vector<16xi32>, vector<16xi32>], vector<16xf32>,
    } {sc.loop_unroll_factor = 3 : i64, sc.parallel_access}
    %dma_wait3A_67 = arith.constant 32 : i32
    %dma_wait3A_68 = arith.constant 0 : i32
    %dma_wait3A_69 = tpu.memref_slice %arg5[%dma_wait3A_67, %dma_wait3A_68] : memref<64x512xf32, #tpu.memory_space<vmem>> -> memref<32x512xf32, #tpu.memory_space<vmem>>
    %dma_wait3A_70 = arith.constant 32 : i32
    %dma_wait3A_71 = tpu.memref_slice %arg2[%dma_wait3A_70, %mul3A_2] : memref<64x16384xf32, #tpu.memory_space<hbm>> -> memref<32x512xf32, #tpu.memory_space<hbm>>
    %dma_wait3A_72 = arith.constant 32 : i32
    %dma_wait3A_73 = arith.constant 0 : i32
    %dma_wait3A_74 = tpu.memref_slice %arg5[%dma_wait3A_72, %dma_wait3A_73] : memref<64x512xf32, #tpu.memory_space<vmem>> -> memref<32x512xf32, #tpu.memory_space<vmem>>
    %dma_wait3A_75 = arith.constant 32 : i32
    %dma_wait3A_76 = tpu.memref_slice %arg2[%dma_wait3A_75, %mul3A_2] : memref<64x16384xf32, #tpu.memory_space<hbm>> -> memref<32x512xf32, #tpu.memory_space<hbm>>
    tpu.wait_dma2 semaphore(%arg9 : memref<!tpu.dma_semaphore, #tpu.memory_space<semaphore_mem>>) src(%dma_wait3A_76 : memref<32x512xf32, #tpu.memory_space<hbm>>) dst(%dma_wait3A_74 : memref<32x512xf32, #tpu.memory_space<vmem>>)
    %dma_wait3A_77 = arith.constant 32 : i32
    %dma_wait3A_78 = arith.constant 0 : i32
    %dma_wait3A_79 = tpu.memref_slice %arg6[%dma_wait3A_77, %dma_wait3A_78] : memref<64x512xi32, #tpu.memory_space<vmem>> -> memref<32x512xi32, #tpu.memory_space<vmem>>
    %dma_wait3A_80 = arith.constant 32 : i32
    %dma_wait3A_81 = tpu.memref_slice %arg3[%dma_wait3A_80, %mul3A_2] : memref<64x16384xi32, #tpu.memory_space<hbm>> -> memref<32x512xi32, #tpu.memory_space<hbm>>
    %dma_wait3A_82 = arith.constant 32 : i32
    %dma_wait3A_83 = arith.constant 0 : i32
    %dma_wait3A_84 = tpu.memref_slice %arg6[%dma_wait3A_82, %dma_wait3A_83] : memref<64x512xi32, #tpu.memory_space<vmem>> -> memref<32x512xi32, #tpu.memory_space<vmem>>
    %dma_wait3A_85 = arith.constant 32 : i32
    %dma_wait3A_86 = tpu.memref_slice %arg3[%dma_wait3A_85, %mul3A_2] : memref<64x16384xi32, #tpu.memory_space<hbm>> -> memref<32x512xi32, #tpu.memory_space<hbm>>
    tpu.wait_dma2 semaphore(%arg9 : memref<!tpu.dma_semaphore, #tpu.memory_space<semaphore_mem>>) src(%dma_wait3A_86 : memref<32x512xi32, #tpu.memory_space<hbm>>) dst(%dma_wait3A_84 : memref<32x512xi32, #tpu.memory_space<vmem>>)
    %parallel_loop3A_87 = arith.constant 1024 : i32
    %parallel_loop3A_88 = arith.constant 2048 : i32
    %parallel_loop3A_89 = arith.constant 1 : i32
    scf.for %parallel_loop3A_90 = %parallel_loop3A_87 to %parallel_loop3A_88 step %parallel_loop3A_89  : i32 {
      %parallel_loop3A_91 = arith.constant 32 : i32
      %parallel_loop3A_92 = arith.divsi %parallel_loop3A_90, %parallel_loop3A_91 : i32
      %parallel_loop3A_93 = arith.constant 0 : i32
      %parallel_loop3A_94 = arith.cmpi sgt, %parallel_loop3A_90, %parallel_loop3A_93 : i32
      %parallel_loop3A_95 = arith.extui %parallel_loop3A_94 : i1 to i32
      %parallel_loop3A_96 = arith.constant 0 : i32
      %parallel_loop3A_97 = arith.cmpi slt, %parallel_loop3A_90, %parallel_loop3A_96 : i32
      %parallel_loop3A_98 = arith.extui %parallel_loop3A_97 : i1 to i32
      %parallel_loop3A_99 = arith.subi %parallel_loop3A_95, %parallel_loop3A_98 : i32
      %parallel_loop3A_100 = arith.constant 0 : i32
      %parallel_loop3A_101 = arith.cmpi sgt, %parallel_loop3A_91, %parallel_loop3A_100 : i32
      %parallel_loop3A_102 = arith.extui %parallel_loop3A_101 : i1 to i32
      %parallel_loop3A_103 = arith.constant 0 : i32
      %parallel_loop3A_104 = arith.cmpi slt, %parallel_loop3A_91, %parallel_loop3A_103 : i32
      %parallel_loop3A_105 = arith.extui %parallel_loop3A_104 : i1 to i32
      %parallel_loop3A_106 = arith.subi %parallel_loop3A_102, %parallel_loop3A_105 : i32
      %parallel_loop3A_107 = arith.cmpi ne, %parallel_loop3A_99, %parallel_loop3A_106 : i32
      %parallel_loop3A_108 = arith.remsi %parallel_loop3A_90, %parallel_loop3A_91 : i32
      %parallel_loop3A_109 = arith.constant 0 : i32
      %parallel_loop3A_110 = arith.cmpi ne, %parallel_loop3A_108, %parallel_loop3A_109 : i32
      %parallel_loop3A_111 = arith.andi %parallel_loop3A_107, %parallel_loop3A_110 : i1
      %parallel_loop3A_112 = arith.constant 1 : i32
      %parallel_loop3A_113 = arith.subi %parallel_loop3A_92, %parallel_loop3A_112 : i32
      %parallel_loop3A_114 = arith.select %parallel_loop3A_111, %parallel_loop3A_113, %parallel_loop3A_92 : i32
      %parallel_loop3A_115 = arith.constant 32 : i32
      %parallel_loop3A_116 = arith.constant 0 : i32
      %parallel_loop3A_117 = arith.cmpi eq, %parallel_loop3A_115, %parallel_loop3A_116 : i32
      %parallel_loop3A_118 = arith.constant 1 : i32
      %parallel_loop3A_119 = arith.select %parallel_loop3A_117, %parallel_loop3A_118, %parallel_loop3A_115 : i32
      %parallel_loop3A_120 = arith.remsi %parallel_loop3A_90, %parallel_loop3A_119 : i32
      %parallel_loop3A_121 = arith.constant 0 : i32
      %parallel_loop3A_122 = arith.cmpi ne, %parallel_loop3A_120, %parallel_loop3A_121 : i32
      %parallel_loop3A_123 = arith.constant 0 : i32
      %parallel_loop3A_124 = arith.cmpi slt, %parallel_loop3A_120, %parallel_loop3A_123 : i32
      %parallel_loop3A_125 = arith.constant 0 : i32
      %parallel_loop3A_126 = arith.cmpi slt, %parallel_loop3A_119, %parallel_loop3A_125 : i32
      %parallel_loop3A_127 = arith.xori %parallel_loop3A_124, %parallel_loop3A_126 : i1
      %parallel_loop3A_128 = arith.andi %parallel_loop3A_127, %parallel_loop3A_122 : i1
      %parallel_loop3A_129 = arith.addi %parallel_loop3A_120, %parallel_loop3A_119 : i32
      %parallel_loop3A_130 = arith.select %parallel_loop3A_128, %parallel_loop3A_129, %parallel_loop3A_120 : i32
      %parallel_loop3A_131 = arith.constant 16 : i32
      %parallel_loop3A_132 = arith.muli %parallel_loop3A_130, %parallel_loop3A_131 : i32
      %parallel_loop3A_133 = arith.index_cast %parallel_loop3A_114 : i32 to index
      %parallel_loop3A_134 = arith.index_cast %parallel_loop3A_132 : i32 to index
      %parallel_loop3A_135 = tpu.vector_load %arg5[%parallel_loop3A_133, %parallel_loop3A_134] {strides = array<i32>} : memref<64x512xf32, #tpu.memory_space<vmem>>, vector<16xf32>,
      %parallel_loop3A_136 = arith.index_cast %parallel_loop3A_114 : i32 to index
      %parallel_loop3A_137 = arith.index_cast %parallel_loop3A_132 : i32 to index
      %parallel_loop3A_138 = tpu.vector_load %arg6[%parallel_loop3A_136, %parallel_loop3A_137] {strides = array<i32>} : memref<64x512xi32, #tpu.memory_space<vmem>>, vector<16xi32>,
      %parallel_loop3A_139 = arith.sitofp %parallel_loop3A_138 : vector<16xi32> to vector<16xf32>
      %parallel_loop3A_140 = math.absf %parallel_loop3A_135 : vector<16xf32>
      %parallel_loop3A_141 = arith.constant 0.000000e+00 : f32
      %parallel_loop3A_142 = vector.broadcast %parallel_loop3A_141 : f32 to vector<16xf32>
      %parallel_loop3A_143 = arith.subf %parallel_loop3A_142, %parallel_loop3A_140 : vector<16xf32>
      %parallel_loop3A_144 = math.exp %parallel_loop3A_143 : vector<16xf32>
      %parallel_loop3A_145 = arith.constant 1.000000e+00 : f32
      %parallel_loop3A_146 = vector.broadcast %parallel_loop3A_145 : f32 to vector<16xf32>
      %parallel_loop3A_147 = arith.addf %parallel_loop3A_146, %parallel_loop3A_144 : vector<16xf32>
      %parallel_loop3A_148 = arith.constant 1.000000e+00 : f32
      %parallel_loop3A_149 = vector.broadcast %parallel_loop3A_148 : f32 to vector<16xf32>
      %parallel_loop3A_150 = arith.divf %parallel_loop3A_149, %parallel_loop3A_147 : vector<16xf32>
      %parallel_loop3A_151 = arith.constant 0.000000e+00 : f32
      %parallel_loop3A_152 = vector.broadcast %parallel_loop3A_151 : f32 to vector<16xf32>
      %parallel_loop3A_153 = arith.cmpf oge, %parallel_loop3A_135, %parallel_loop3A_152 : vector<16xf32>
      %parallel_loop3A_154 = arith.mulf %parallel_loop3A_144, %parallel_loop3A_150 : vector<16xf32>
      %parallel_loop3A_155 = arith.select %parallel_loop3A_153, %parallel_loop3A_150, %parallel_loop3A_154 : vector<16xi1>, vector<16xf32>
      %parallel_loop3A_156 = arith.subf %parallel_loop3A_155, %parallel_loop3A_139 : vector<16xf32>
      %parallel_loop3A_157 = math.absf %parallel_loop3A_156 : vector<16xf32>
      %parallel_loop3A_158 = arith.constant 3.000000e+01 : f32
      %parallel_loop3A_159 = vector.broadcast %parallel_loop3A_158 : f32 to vector<16xf32>
      %parallel_loop3A_160 = arith.mulf %parallel_loop3A_157, %parallel_loop3A_159 : vector<16xf32>
      %parallel_loop3A_161 = arith.fptosi %parallel_loop3A_160 : vector<16xf32> to vector<16xi32>
      %parallel_loop3A_162 = arith.constant 29 : i32
      %parallel_loop3A_163 = vector.broadcast %parallel_loop3A_162 : i32 to vector<16xi32>
      %parallel_loop3A_164 = arith.minsi %parallel_loop3A_161, %parallel_loop3A_163 : vector<16xi32>
      %parallel_loop3A_165 = arith.constant 2.000000e+00 : f32
      %parallel_loop3A_166 = vector.broadcast %parallel_loop3A_165 : f32 to vector<16xf32>
      %parallel_loop3A_167 = arith.addf %parallel_loop3A_166, %parallel_loop3A_144 : vector<16xf32>
      %parallel_loop3A_168 = arith.divf %parallel_loop3A_144, %parallel_loop3A_167 : vector<16xf32>
      %parallel_loop3A_169 = arith.mulf %parallel_loop3A_168, %parallel_loop3A_168 : vector<16xf32>
      %parallel_loop3A_170 = arith.constant 2.000000e+00 : f32
      %parallel_loop3A_171 = vector.broadcast %parallel_loop3A_170 : f32 to vector<16xf32>
      %parallel_loop3A_172 = arith.mulf %parallel_loop3A_171, %parallel_loop3A_168 : vector<16xf32>
      %parallel_loop3A_173 = arith.constant 2.000000e-01 : f32
      %parallel_loop3A_174 = vector.broadcast %parallel_loop3A_173 : f32 to vector<16xf32>
      %parallel_loop3A_175 = arith.mulf %parallel_loop3A_169, %parallel_loop3A_174 : vector<16xf32>
      %parallel_loop3A_176 = arith.constant 0.333333343 : f32
      %parallel_loop3A_177 = vector.broadcast %parallel_loop3A_176 : f32 to vector<16xf32>
      %parallel_loop3A_178 = arith.addf %parallel_loop3A_177, %parallel_loop3A_175 : vector<16xf32>
      %parallel_loop3A_179 = arith.mulf %parallel_loop3A_169, %parallel_loop3A_178 : vector<16xf32>
      %parallel_loop3A_180 = arith.constant 1.000000e+00 : f32
      %parallel_loop3A_181 = vector.broadcast %parallel_loop3A_180 : f32 to vector<16xf32>
      %parallel_loop3A_182 = arith.addf %parallel_loop3A_181, %parallel_loop3A_179 : vector<16xf32>
      %parallel_loop3A_183 = arith.mulf %parallel_loop3A_172, %parallel_loop3A_182 : vector<16xf32>
      %parallel_loop3A_184 = arith.constant 0.000000e+00 : f32
      %parallel_loop3A_185 = vector.broadcast %parallel_loop3A_184 : f32 to vector<16xf32>
      %parallel_loop3A_186 = arith.maximumf %parallel_loop3A_135, %parallel_loop3A_185 : vector<16xf32>
      %parallel_loop3A_187 = arith.mulf %parallel_loop3A_135, %parallel_loop3A_139 : vector<16xf32>
      %parallel_loop3A_188 = arith.subf %parallel_loop3A_186, %parallel_loop3A_187 : vector<16xf32>
      %parallel_loop3A_189 = arith.addf %parallel_loop3A_188, %parallel_loop3A_183 : vector<16xf32>
      %parallel_loop3A_190 = arith.constant 64 : i32
      %parallel_loop3A_191 = arith.muli %parallel_loop3A_114, %parallel_loop3A_190 : i32
      %parallel_loop3A_192 = vector.broadcast %parallel_loop3A_191 : i32 to vector<16xi32>
      %parallel_loop3A_193 = arith.addi %parallel_loop3A_164, %parallel_loop3A_192 : vector<16xi32>
      %parallel_loop3A_194 = arith.constant 32 : i32
      %parallel_loop3A_195 = vector.broadcast %parallel_loop3A_194 : i32 to vector<16xi32>
      %parallel_loop3A_196 = arith.addi %parallel_loop3A_193, %parallel_loop3A_195 : vector<16xi32>
      %parallel_loop3A_197 = arith.constant 7 : i32
      %parallel_loop3A_198 = vector.broadcast %parallel_loop3A_197 : i32 to vector<16xi32>
      %parallel_loop3A_199 = arith.shrui %parallel_loop3A_193, %parallel_loop3A_198 : vector<16xi32>
      %parallel_loop3A_200 = arith.constant 127 : i32
      %parallel_loop3A_201 = vector.broadcast %parallel_loop3A_200 : i32 to vector<16xi32>
      %parallel_loop3A_202 = arith.andi %parallel_loop3A_193, %parallel_loop3A_201 : vector<16xi32>
      tpu.vector_store_idx %arg7[%parallel_loop3A_199, %parallel_loop3A_202], %broadcast_in_dim3A_63 {add = true} : memref<32x128xf32, #tpu.memory_space<vmem>>[vector<16xi32>, vector<16xi32>], vector<16xf32>,
      %parallel_loop3A_203 = arith.constant 7 : i32
      %parallel_loop3A_204 = vector.broadcast %parallel_loop3A_203 : i32 to vector<16xi32>
      %parallel_loop3A_205 = arith.shrui %parallel_loop3A_196, %parallel_loop3A_204 : vector<16xi32>
      %parallel_loop3A_206 = arith.constant 127 : i32
      %parallel_loop3A_207 = vector.broadcast %parallel_loop3A_206 : i32 to vector<16xi32>
      %parallel_loop3A_208 = arith.andi %parallel_loop3A_196, %parallel_loop3A_207 : vector<16xi32>
      tpu.vector_store_idx %arg7[%parallel_loop3A_205, %parallel_loop3A_208], %parallel_loop3A_189 {add = true} : memref<32x128xf32, #tpu.memory_space<vmem>>[vector<16xi32>, vector<16xi32>], vector<16xf32>,
    } {sc.loop_unroll_factor = 3 : i64, sc.parallel_access}
    "tpu.region"() ({
      %run_scoped3A = tpu.sem_alloc : memref<!tpu.dma_semaphore, #tpu.memory_space<semaphore_mem>>
      %dma_start3A_90 = arith.constant 0 : i32
      %dma_start3A_91 = arith.constant 0 : i32
      %dma_start3A_92 = tpu.memref_slice %arg4[%add3A, %dma_start3A_90, %dma_start3A_91] : memref<32x32x128xf32, #tpu.memory_space<hbm>> -> memref<1x32x128xf32, #tpu.memory_space<hbm>>
      %dma_start3A_93 = tpu.memref_squeeze %dma_start3A_92 : memref<1x32x128xf32, #tpu.memory_space<hbm>> -> memref<32x128xf32, #tpu.memory_space<hbm>>
      %dma_start3A_94 = arith.constant 0 : i32
      %dma_start3A_95 = arith.constant 0 : i32
      %dma_start3A_96 = tpu.memref_slice %arg4[%add3A, %dma_start3A_94, %dma_start3A_95] : memref<32x32x128xf32, #tpu.memory_space<hbm>> -> memref<1x32x128xf32, #tpu.memory_space<hbm>>
      %dma_start3A_97 = tpu.memref_squeeze %dma_start3A_96 : memref<1x32x128xf32, #tpu.memory_space<hbm>> -> memref<32x128xf32, #tpu.memory_space<hbm>>
      tpu.enqueue_dma source(%arg7 : memref<32x128xf32, #tpu.memory_space<vmem>>) target(%dma_start3A_97 : memref<32x128xf32, #tpu.memory_space<hbm>>) target_semaphore(%run_scoped3A : memref<!tpu.dma_semaphore, #tpu.memory_space<semaphore_mem>>)
      %dma_wait3A_98 = arith.constant 0 : i32
      %dma_wait3A_99 = arith.constant 0 : i32
      %dma_wait3A_100 = tpu.memref_slice %arg4[%add3A, %dma_wait3A_98, %dma_wait3A_99] : memref<32x32x128xf32, #tpu.memory_space<hbm>> -> memref<1x32x128xf32, #tpu.memory_space<hbm>>
      %dma_wait3A_101 = tpu.memref_squeeze %dma_wait3A_100 : memref<1x32x128xf32, #tpu.memory_space<hbm>> -> memref<32x128xf32, #tpu.memory_space<hbm>>
      %dma_wait3A_102 = arith.constant 0 : i32
      %dma_wait3A_103 = arith.constant 0 : i32
      %dma_wait3A_104 = tpu.memref_slice %arg4[%add3A, %dma_wait3A_102, %dma_wait3A_103] : memref<32x32x128xf32, #tpu.memory_space<hbm>> -> memref<1x32x128xf32, #tpu.memory_space<hbm>>
      %dma_wait3A_105 = tpu.memref_squeeze %dma_wait3A_104 : memref<1x32x128xf32, #tpu.memory_space<hbm>> -> memref<32x128xf32, #tpu.memory_space<hbm>>
      tpu.wait_dma2 semaphore(%run_scoped3A : memref<!tpu.dma_semaphore, #tpu.memory_space<semaphore_mem>>) src(%arg7 : memref<32x128xf32, #tpu.memory_space<vmem>>) dst(%dma_wait3A_105 : memref<32x128xf32, #tpu.memory_space<hbm>>)
      tpu.yield
    }) : () -> ()
    return
  }
}

module attributes {stable_mosaic.version = 14 : i64} {
  func.func @_fin_body(%arg0: memref<32x32x128xf32, #tpu.memory_space<vmem>>, %arg1: memref<32x32xf32, #tpu.memory_space<vmem>>, %arg2: memref<32x32xf32, #tpu.memory_space<vmem>>, %arg3: memref<1x1xf32, #tpu.memory_space<vmem>>) attributes {dimension_semantics = [], scalar_prefetch = 0 : i64, scratch_operands = 0 : i64, tpu.core_type = #tpu.core_type<tc>} {
    %get3A = arith.constant 0 : index
    %get3A_0 = arith.constant 0 : index
    %get3A_1 = arith.constant 0 : index
    %get3A_2 = vector.load %arg0[%get3A, %get3A_0, %get3A_1] : memref<32x32x128xf32, #tpu.memory_space<vmem>>, vector<32x32x128xf32>
    %reduce_sum3A = arith.constant dense<0.000000e+00> : vector<32x128xf32>
    %reduce_sum3A_3 = vector.multi_reduction <add>, %get3A_2, %reduce_sum3A [0] : vector<32x32x128xf32> to vector<32x128xf32>
    %slice3A = vector.extract_strided_slice %reduce_sum3A_3 {offsets = [0, 0], sizes = [32, 32], strides = [1, 1]} : vector<32x128xf32> to vector<32x32xf32>
    %slice3A_4 = vector.extract_strided_slice %reduce_sum3A_3 {offsets = [0, 32], sizes = [32, 32], strides = [1, 1]} : vector<32x128xf32> to vector<32x32xf32>
    %gt3A = arith.constant 0.000000e+00 : f32
    %gt3A_5 = vector.broadcast %gt3A : f32 to vector<32x32xf32>
    %gt3A_6 = arith.cmpf ogt, %slice3A, %gt3A_5 : vector<32x32xf32>
    %convert_element_type3A = arith.extui %gt3A_6 : vector<32x32xi1> to vector<32x32xi32>
    %convert_element_type3A_7 = arith.sitofp %convert_element_type3A : vector<32x32xi32> to vector<32x32xf32>
    %reduce_sum3A_8 = arith.constant dense<0.000000e+00> : vector<32xf32>
    %reduce_sum3A_9 = vector.multi_reduction <add>, %convert_element_type3A_7, %reduce_sum3A_8 [1] : vector<32x32xf32> to vector<32xf32>
    %broadcast_in_dim3A = vector.shape_cast %reduce_sum3A_9 : vector<32xf32> to vector<32x1xf32>
    %get3A_10 = arith.constant 0 : index
    %get3A_11 = arith.constant 0 : index
    %get3A_12 = vector.load %arg1[%get3A_10, %get3A_11] : memref<32x32xf32, #tpu.memory_space<vmem>>, vector<32x32xf32>
    %mul3A = arith.constant 6.000000e-01 : f32
    %mul3A_13 = vector.broadcast %mul3A : f32 to vector<32x32xf32>
    %mul3A_14 = arith.mulf %mul3A_13, %get3A_12 : vector<32x32xf32>
    %mul3A_15 = arith.constant 4.000000e-01 : f32
    %mul3A_16 = vector.broadcast %mul3A_15 : f32 to vector<32x32xf32>
    %mul3A_17 = arith.mulf %mul3A_16, %slice3A : vector<32x32xf32>
    %add3A = arith.addf %mul3A_14, %mul3A_17 : vector<32x32xf32>
    %jit3A = arith.constant 1.000000e+00 : f32
    %broadcast_in_dim3A_18 = vector.broadcast %jit3A : f32 to vector<32x32xf32>
    %select_n3A = arith.select %gt3A_6, %add3A, %broadcast_in_dim3A_18 : vector<32x32xi1>, vector<32x32xf32>
    %div3A = arith.divf %slice3A_4, %select_n3A : vector<32x32xf32>
    %jit3A_19 = arith.constant 0.000000e+00 : f32
    %broadcast_in_dim3A_20 = vector.broadcast %jit3A_19 : f32 to vector<32x32xf32>
    %select_n3A_21 = arith.select %gt3A_6, %div3A, %broadcast_in_dim3A_20 : vector<32x32xi1>, vector<32x32xf32>
    %reduce_sum3A_22 = arith.constant dense<0.000000e+00> : vector<32xf32>
    %reduce_sum3A_23 = vector.multi_reduction <add>, %select_n3A_21, %reduce_sum3A_22 [1] : vector<32x32xf32> to vector<32xf32>
    %broadcast_in_dim3A_24 = vector.shape_cast %reduce_sum3A_23 : vector<32xf32> to vector<32x1xf32>
    %max3A = arith.constant 1.000000e+00 : f32
    %max3A_25 = vector.broadcast %max3A : f32 to vector<32x1xf32>
    %max3A_26 = arith.maximumf %broadcast_in_dim3A, %max3A_25 : vector<32x1xf32>
    %div3A_27 = arith.divf %broadcast_in_dim3A_24, %max3A_26 : vector<32x1xf32>
    %reduce_sum3A_28 = vector.shape_cast %div3A_27 : vector<32x1xf32> to vector<1x32x1xf32>
    %reduce_sum3A_29 = arith.constant dense<0.000000e+00> : vector<1xf32>
    %reduce_sum3A_30 = vector.multi_reduction <add>, %reduce_sum3A_28, %reduce_sum3A_29 [1, 2] : vector<1x32x1xf32> to vector<1xf32>
    %reduce_sum3A_31 = vector.shape_cast %reduce_sum3A_30 : vector<1xf32> to vector<1x1x1xf32>
    %reduce_sum3A_32 = vector.extract %reduce_sum3A_31[0, 0, 0] : f32 from vector<1x1x1xf32>
    %add3A_33 = arith.constant 0.000000e+00 : f32
    %add3A_34 = arith.addf %add3A_33, %reduce_sum3A_32 : f32
    %slice3A_35 = vector.extract_strided_slice %reduce_sum3A_3 {offsets = [0, 64], sizes = [32, 32], strides = [1, 1]} : vector<32x128xf32> to vector<32x32xf32>
    %slice3A_36 = vector.extract_strided_slice %reduce_sum3A_3 {offsets = [0, 96], sizes = [32, 32], strides = [1, 1]} : vector<32x128xf32> to vector<32x32xf32>
    %gt3A_37 = arith.constant 0.000000e+00 : f32
    %gt3A_38 = vector.broadcast %gt3A_37 : f32 to vector<32x32xf32>
    %gt3A_39 = arith.cmpf ogt, %slice3A_35, %gt3A_38 : vector<32x32xf32>
    %convert_element_type3A_40 = arith.extui %gt3A_39 : vector<32x32xi1> to vector<32x32xi32>
    %convert_element_type3A_41 = arith.sitofp %convert_element_type3A_40 : vector<32x32xi32> to vector<32x32xf32>
    %reduce_sum3A_42 = arith.constant dense<0.000000e+00> : vector<32xf32>
    %reduce_sum3A_43 = vector.multi_reduction <add>, %convert_element_type3A_41, %reduce_sum3A_42 [1] : vector<32x32xf32> to vector<32xf32>
    %broadcast_in_dim3A_44 = vector.shape_cast %reduce_sum3A_43 : vector<32xf32> to vector<32x1xf32>
    %get3A_45 = arith.constant 0 : index
    %get3A_46 = arith.constant 0 : index
    %get3A_47 = vector.load %arg2[%get3A_45, %get3A_46] : memref<32x32xf32, #tpu.memory_space<vmem>>, vector<32x32xf32>
    %mul3A_48 = arith.constant 6.000000e-01 : f32
    %mul3A_49 = vector.broadcast %mul3A_48 : f32 to vector<32x32xf32>
    %mul3A_50 = arith.mulf %mul3A_49, %get3A_47 : vector<32x32xf32>
    %mul3A_51 = arith.constant 4.000000e-01 : f32
    %mul3A_52 = vector.broadcast %mul3A_51 : f32 to vector<32x32xf32>
    %mul3A_53 = arith.mulf %mul3A_52, %slice3A_35 : vector<32x32xf32>
    %add3A_54 = arith.addf %mul3A_50, %mul3A_53 : vector<32x32xf32>
    %jit3A_55 = arith.constant 1.000000e+00 : f32
    %broadcast_in_dim3A_56 = vector.broadcast %jit3A_55 : f32 to vector<32x32xf32>
    %select_n3A_57 = arith.select %gt3A_39, %add3A_54, %broadcast_in_dim3A_56 : vector<32x32xi1>, vector<32x32xf32>
    %div3A_58 = arith.divf %slice3A_36, %select_n3A_57 : vector<32x32xf32>
    %jit3A_59 = arith.constant 0.000000e+00 : f32
    %broadcast_in_dim3A_60 = vector.broadcast %jit3A_59 : f32 to vector<32x32xf32>
    %select_n3A_61 = arith.select %gt3A_39, %div3A_58, %broadcast_in_dim3A_60 : vector<32x32xi1>, vector<32x32xf32>
    %reduce_sum3A_62 = arith.constant dense<0.000000e+00> : vector<32xf32>
    %reduce_sum3A_63 = vector.multi_reduction <add>, %select_n3A_61, %reduce_sum3A_62 [1] : vector<32x32xf32> to vector<32xf32>
    %broadcast_in_dim3A_64 = vector.shape_cast %reduce_sum3A_63 : vector<32xf32> to vector<32x1xf32>
    %max3A_65 = arith.constant 1.000000e+00 : f32
    %max3A_66 = vector.broadcast %max3A_65 : f32 to vector<32x1xf32>
    %max3A_67 = arith.maximumf %broadcast_in_dim3A_44, %max3A_66 : vector<32x1xf32>
    %div3A_68 = arith.divf %broadcast_in_dim3A_64, %max3A_67 : vector<32x1xf32>
    %reduce_sum3A_69 = vector.shape_cast %div3A_68 : vector<32x1xf32> to vector<1x32x1xf32>
    %reduce_sum3A_70 = arith.constant dense<0.000000e+00> : vector<1xf32>
    %reduce_sum3A_71 = vector.multi_reduction <add>, %reduce_sum3A_69, %reduce_sum3A_70 [1, 2] : vector<1x32x1xf32> to vector<1xf32>
    %reduce_sum3A_72 = vector.shape_cast %reduce_sum3A_71 : vector<1xf32> to vector<1x1x1xf32>
    %reduce_sum3A_73 = vector.extract %reduce_sum3A_72[0, 0, 0] : f32 from vector<1x1x1xf32>
    %add3A_74 = arith.addf %add3A_34, %reduce_sum3A_73 : f32
    %div3A_75 = arith.constant 6.400000e+01 : f32
    %div3A_76 = arith.divf %add3A_74, %div3A_75 : f32
    %broadcast_in_dim3A_77 = vector.broadcast %div3A_76 : f32 to vector<1x1xf32>
    %swap3A = arith.constant 0 : index
    %swap3A_78 = arith.constant 0 : index
    %swap3A_79 = vector.load %arg3[%swap3A, %swap3A_78] : memref<1x1xf32, #tpu.memory_space<vmem>>, vector<1x1xf32>
    tpu.vector_store %arg3[%swap3A, %swap3A_78], %broadcast_in_dim3A_77 {strides = array<i32>} : memref<1x1xf32, #tpu.memory_space<vmem>>, vector<1x1xf32>,
    return
  }
}

</mosaic_0001>

<sc_bundles>
// kernel: kernel.4.cloned.1.call-start
scs
__scs_entry_jumppad:
0x0: {  	(pc) =	sbr.rel $0x88, $3  }
0x1: {  	(tag) =	ssettag $0x0;
	lr =	simm.s32 $0x1  }
0x2: {  	[smem:$0x3F9E] =	sst lr;
	_ =	strace $0xD0000000  }
0x3: {  	_ = 	snop  }
0x4: {  	_ = 	snop  }
0x5: {  	_ = 	snop  }
0x6: {  	_ = 	snop  }
0x7: {  	_ = 	snop  }
__scs_overlays_trampoline_lowered:
0x8: {  	[smem:$0x3FAD] =	sst s0  }
0x9: {  	[smem:$0x3FAE] =	sst s1  }
0xa: {  	[smem:$0x3FAF] =	sst s2  }
0xb: {  	[smem:$0x3FB0] =	sst s3  }
0xc: {  	[smem:$0x3FB1] =	sst s4  }
0xd: {  	[smem:$0x3FB2] =	sst s5  }
0xe: {  	[smem:$0x3FB3] =	sst s6  }
0xf: {  	[smem:$0x3FB4] =	sst s7  }
0x10: {  	[smem:$0x3FB5] =	sst s8  }
0x11: {  	[smem:$0x3FB6] =	sst s9;
	s0 =	simm.s32 @!p0 $0x0  }
0x12: {  	s1 =	sld [smem:$0x3F9C];
	s0 =	simm.s32 @p0 $0x1  }
0x13: {  	[smem:$0x3FB7] =	sst s0;
	s0 =	simm.s32 @!p1 $0x0  }
0x14: {  	s2 =	sld [smem:$0x3F9B];
	s0 =	simm.s32 @p1 $0x1  }
0x15: {  	[smem:$0x3FB8] =	sst s0;
	s0 =	simm.s32 @!p2 $0x0  }
0x16: {  	s3 =	sld [smem:$0x3FDB];
	s0 =	simm.s32 @p2 $0x1  }
0x17: {  	s4 =	simm.s32 $0x1BF5;
	[smem:$0x3FBA] =	sst s0  }
0x18: {  	s0 =	sld [smem:$0x3F9D];
	_ =	swait.ge [sflag:s4], $0x0  }
0x19: {  	s7 =	sld [smem:$0x3F9E]  }
0x1a: {  	s8 =	sadd.s32 $0xFFFFE003, lr  }
0x1b: {  	s9 =	sadd.s32 $0xFFFFFEF7, lr;
	s5 =	simm.s32 $0xFFFFFFFF;
	p2 =	slt.u32 s8, $0xFFFFF086  }
0x1c: {  	p1 =	slt.u32 s9, $0xF7A;
	s5 =	simm.s32 @!p2 $0x0  }
0x1d: {  	s5 =	simm.s32 @p1 $0x1;
	p0 =	seq.s32 s7, s2  }
0x1e: {  	s7 =	smul.u32 @!p0 $0xF7A, s2;
	p2 =	seq.s32 @!p0 s5, $0x0  }
0x1f: {  	s9 =	smul.u32 $0xF7A, s1;
	s8 =	simm.s32 @!p0 $0x1BF5;
	p2 =	por !p2, p0  }
0x20: {  	[sflag:s8] =	ssyncset.s32 @!p0 $0xFFFFF086;
	s6 =	sadd.s32 @!p0 s3, s7;
	s7 =	simm.s32 @!p0 $0x108  }
0x21: {  	s3 =	sadd.s32 s3, s9;
	s6 =	sadd.s32 @!p0 $0x88, s6;
	s7 =	simm.s32 @p2 $0x1082  }
0x22: {  	[simem:s7], [sflag:s8] =	dma.local @!p0 [hbm:s6], $0xF7A  }
0x23: {  	s9 =	sor.u32 $0xD0000000, s2;
	s6 =	simm.s32 $0x108;
	_ =	swait.ge @!p0 [sflag:s8], $0x0  }
0x24: {  	s3 =	sadd.s32 $0x88, s3;
	s6 =	simm.s32 @!p1 $0x1082;
	[sflag:s4] =	ssyncset.s32 $0xFFFFF086  }
0x25: {  	[simem:s6], [sflag:s4] =	dma.local [hbm:s3], $0xF7A  }
0x26: {  	[smem:$0x3F9E] =	sst s1;
	(tag) =	ssettag s2;
	_ =	strace s9  }
0x27: {  	s1 =	sld [smem:$0x3FAE]  }
0x28: {  	s2 =	sld [smem:$0x3FAF]  }
0x29: {  	s4 =	sld [smem:$0x3FB1]  }
0x2a: {  	p0 =	seq.s32 s5, $0x0;
	s5 =	sld [smem:$0x3FB2]  }
0x2b: {  	s6 =	sld [smem:$0x3FB3]  }
0x2c: {  	s7 =	sld [smem:$0x3FB4]  }
0x2d: {  	s3 =	simm.s32 $0x108;
	s8 =	sld [smem:$0x3FB5]  }
0x2e: {  	s3 =	simm.s32 @!p0 $0x1082;
	s9 =	sld [smem:$0x3FB6]  }
0x2f: {  	lr =	sadd.s32 s0, s3;
	s0 =	sld [smem:$0x3FAD]  }
0x30: {  	s3 =	sld [smem:$0x3FB0]  }
0x31: {  	[smem:$0x3FB9] =	sst s10  }
0x32: {  	s10 =	sld [smem:$0x3FB7];
	_ =	sdelay $0x3  }
0x33: {  	p0 =	seq.s32 s10, $0x1;
	s10 =	sld [smem:$0x3FB9];
	_ =	sdelay $0x3  }
0x34: {  	[smem:$0x3FB9] =	sst s10  }
0x35: {  	s10 =	sld [smem:$0x3FB8];
	_ =	sdelay $0x3  }
0x36: {  	p1 =	seq.s32 s10, $0x1;
	s10 =	sld [smem:$0x3FB9];
	_ =	sdelay $0x3  }
0x37: {  	[smem:$0x3FB9] =	sst s10  }
0x38: {  	s10 =	sld [smem:$0x3FBA]  }
0x39: {  	_ = 	snop;
	(pc) =	sbr.ind lr, $3  }
0x3a: {  	_ = 	snop  }
0x3b: {  	_ = 	snop  }
0x3c: {  	p2 =	seq.s32 s10, $0x1;
	s10 =	sld [smem:$0x3FB9]  }
0x3d: {  	_ =	shalt  }
0x3e: {  	_ =	shalt  }
0x3f: {  	_ =	shalt  }
0x40: {  	_ =	shalt  }
0x41: {  	_ =	shalt  }
0x42: {  	_ =	shalt  }
0x43: {  	_ =	shalt  }
0x44: {  	_ =	shalt  }
0x45: {  	_ =	shalt  }
0x46: {  	_ =	shalt  }
0x47: {  	_ =	shalt  }
0x48: {  	_ =	shalt  }
0x49: {  	_ =	shalt  }
0x4a: {  	_ =	shalt  }
0x4b: {  	_ =	shalt  }
0x4c: {  	_ =	shalt  }
0x4d: {  	_ =	shalt  }
0x4e: {  	_ =	shalt  }
0x4f: {  	_ =	shalt  }
0x50: {  	_ =	shalt  }
0x51: {  	_ =	shalt  }
0x52: {  	_ =	shalt  }
0x53: {  	_ =	shalt  }
0x54: {  	_ =	shalt  }
0x55: {  	_ =	shalt  }
0x56: {  	_ =	shalt  }
0x57: {  	_ =	shalt  }
0x58: {  	_ =	shalt  }
0x59: {  	_ =	shalt  }
0x5a: {  	_ =	shalt  }
0x5b: {  	_ =	shalt  }
0x5c: {  	_ =	shalt  }
0x5d: {  	_ =	shalt  }
0x5e: {  	_ =	shalt  }
0x5f: {  	_ =	shalt  }
0x60: {  	_ =	shalt  }
0x61: {  	_ =	shalt  }
0x62: {  	_ =	shalt  }
0x63: {  	_ =	shalt  }
0x64: {  	_ =	shalt  }
0x65: {  	_ =	shalt  }
0x66: {  	_ =	shalt  }
0x67: {  	_ =	shalt  }
0x68: {  	_ =	shalt  }
0x69: {  	_ =	shalt  }
0x6a: {  	_ =	shalt  }
0x6b: {  	_ =	shalt  }
0x6c: {  	_ =	shalt  }
0x6d: {  	_ =	shalt  }
0x6e: {  	_ =	shalt  }
0x6f: {  	_ =	shalt  }
0x70: {  	_ =	shalt  }
0x71: {  	_ =	shalt  }
0x72: {  	_ =	shalt  }
0x73: {  	_ =	shalt  }
0x74: {  	_ =	shalt  }
0x75: {  	_ =	shalt  }
0x76: {  	_ =	shalt  }
0x77: {  	_ =	shalt  }
0x78: {  	_ =	shalt  }
0x79: {  	_ =	shalt  }
0x7a: {  	_ =	shalt  }
0x7b: {  	_ =	shalt  }
0x7c: {  	_ =	shalt  }
0x7d: {  	_ =	shalt  }
0x7e: {  	_ =	shalt  }
0x7f: {  	_ =	shalt  }
0x80: {  	_ =	shalt  }
0x81: {  	_ =	shalt  }
0x82: {  	_ =	shalt  }
0x83: {  	_ =	shalt  }
0x84: {  	_ =	shalt  }
0x85: {  	_ =	shalt  }
0x86: {  	_ =	shalt  }
0x87: {  	_ =	shalt  }
.Lfunc_end0:
.L_simem_size_0:
called_computation_lowered:
.L_overlay_start_0:
0x88: {  	s2 =	sld [smem:$0x3FD9]  }
0x89: {  	s3 =	sld [smem:$0x3FFE];
	_ =	sdelay $0x1  }
0x8a: {  	s1 =	srdreg.scid  }
0x8b: {  	s0 =	sand.u32 $0x1, s1  }
0x8c: {  	s17 =	sshll.u32 s0, $0xA;
	s2 =	sadd.s32 s3, s2  }
0x8d: {  	s2 =	sadd.s32 s2, s17  }
0x8e: {  	[smem:$0x3FC5] =	sst s2  }
0x8f: {  	_ = 	snop  }
0x90: {  	s2 =	sld [smem:$0x3FC9]  }
0x91: {  	s18 =	sld [smem:$0x3FC8];
	(tm) =	ssettm $0x1  }
0x92: {  	s4 =	sld [smem:$0x3FFB];
	_ =	sdelay $0x3  }
0x93: {  	_ =	strace s4  }
0x94: {  	s4 =	sld [smem:$0x3FFC];
	_ =	sdelay $0x3  }
0x95: {  	_ =	strace s4  }
0x96: {  	s4 =	sld [smem:$0x3FFD];
	_ =	sdelay $0x3  }
0x97: {  	_ =	strace s4  }
0x98: {  	_ =	strace $0x8FFFFFFF  }
0x99: {  	s19 =	sld [smem:$0x3FDB];
	_ =	sdelay $0x1  }
0x9a: {  	s5 =	simm.s32 $_scs_section_size  }
0x9b: {  	s6 =	simm.s32 $_size__tile_overlayer_lowered;
	s7 =	simm.s32 $_tile_overlayer_lowered  }
0x9c: {  	s22 =	simm.s32 $0x1BFF;
	s21 =	sshll.u32 s7, $0x1;
	s4 =	sadd.s32 s5, s19  }
0x9d: {  	s8 =	simm.s32 $0x0;
	s20 =	sshll.u32 s6, $0x1;
	s6 =	sadd.s32 s21, s4  }
0x9e: {  	[timem:s8], [sflag:s22] =	dma.local [hbm:s6], s20  }
0x9f: {  	_ =	swait.ge [sflag:s22], s20  }
0xa0: {  	s5 =	ssub.s32 $0x0, s20;
	[sflag:s22] =	ssyncset.done $0x0  }
0xa1: {  	[sflag:s22] =	ssyncadd.s32 s5;
	_ =	sdelay $0x1  }
0xa2: {  	s23 =	simm.s32 $0x1B8B  }
0xa3: {  	_ =	swait.ge [sflag:s23], $0x1  }
0xa4: {  	[sflag:s23] =	ssyncset.done $0x0  }
0xa5: {  	s25 =	simm.s32 $0x1B8E;
	s24 =	sld [smem:$0x3FFE];
	[sflag:s23] =	ssyncadd.s32 $0xFFFFFFFF  }
0xa6: {  	s26 =	simm.s32 $execute0_lowered;
	[smem:$0x3FD2] =	sst s25  }
0xa7: {  	s6 =	sshll.u32 s26, $0x1;
	_ =	strace $0x80000046;
	[dreg:$0x1] =	wrdreg $0xFFFFFFFF  }
0xa8: {  	s28 =	simm.s32 $_size_execute0_lowered;
	s4 =	sadd.s32 s4, s6;
	[dreg:$0x0] =	wrdreg $0x0  }
0xa9: {  	s6 =	sshll.u32 s28, $0x1;
	[dreg:$0x2] =	wrdreg s4  }
0xaa: {  	[dreg:$0x3] =	wrdreg s6  }
0xab: {  	[dreg:$0x4] =	wrdreg $0xC0  }
0xac: {  	_ =	task [dreg:s8], $0x5FFFF  }
0xad: {  	[dreg:$0x1] =	wrdreg $0xFFFFFFFF  }
0xae: {  	[dreg:$0x0] =	wrdreg $0x60  }
0xaf: {  	[dreg:$0x2] =	wrdreg s2  }
0xb0: {  	[dreg:$0x3] =	wrdreg s18  }
0xb1: {  	[dreg:$0x4] =	wrdreg s24  }
0xb2: {  	[dreg:$0x5] =	wrdreg $0x9  }
0xb3: {  	_ =	task.clear_ibuf [dreg:s8], $0x6FFFF;
	_ =	strace $0x90000046  }
0xb4: {  	s29 =	simm.s32 $0x9;
	_ =	strace $0x80000048  }
0xb5: {  	_ =	swait.ge [sflag:s29], $0x1  }
0xb6: {  	[sflag:s29] =	ssyncadd.s32 $0xFFFFFFFF  }
0xb7: {  	_ =	strace $0x90000048  }
0xb8: {  	_ =	sfence  }
0xb9: {  	s30 =	sld [smem:$0x0];
	_ =	sdelay $0x2  }
0xba: {  	s31 =	sshll.u32 s1, $0xD;
	s1 =	sshrl.u32 s1, $0x2  }
0xbb: {  	s3 =	sand.u32 $0x4000, s31;
	s1 =	sadd.s32 s1, s30  }
0xbc: {  	s0 =	sor.u32 s3, s0;
	s1 =	sshll.u32 s1, $0x11  }
0xbd: {  	s0 =	sor.u32 s1, s0  }
0xbe: {  	s0 =	sadd.s32 $0x8F2B, s0  }
0xbf: {  	[sflag:s0] =	ssyncadd.remote.s32 $0x1  }
0xc0: {  	_ =	sfence.sel $0xFFFF  }
0xc1: {  	[dreg:$0x0] =	wrdreg $0xFFFFFFFF;
	(pc) =	sbr.abs _section_cstart, $3  }
0xc2: {  	[dreg:$0x1] =	wrdreg $0xFFFFFFFF  }
0xc3: {  	_ =	task.clear_ibuf [dreg:s8], $0x2FFFF;
	_ =	strace $0x9FFFFFFF  }
0xc4: {  	(tm) =	ssettm $0x7FFFFFFF  }
0xc5: {  	_ =	shalt  }
tec
execute0_lowered:
.L_overlay_start_1:
0x0: {  	(tag) =	ssettag $0x1  }
0x1: {  	s0 =	rddreg [dreg:$0x0]  }
0x2: {  	s1 =	rddreg [dreg:$0x1]  }
0x3: {  	s3 =	rddreg [dreg:$0x2]  }
0x4: {  	s2 =	srdreg.scid;
	s5 =	stileid.u32  }
0x5: {  	s9 =	simm.s32 $0x1000;
	s10 =	simm.s32 $0x20000;
	s12 =	simm.s32 $0x1  }
0x6: {  	s15 =	simm.s32 $0x10000;
	s16 =	simm.s32 $0x2;
	s17 =	simm.s32 $0x3  }
0x7: {  	s18 =	simm.s32 $0x0;
	s4 =	sand.u32 $0x1, s2;
	s2 =	simm.s32 $0x0  }
0x8: {  	s5 =	sshll.u32 s5, $0xA;
	s6 =	sshll.u32 s4, $0x9;
	[smem:$0x7FF] =	sst s2  }
0x9: {  	s4 =	ssub.s32 $0x2, s4;
	s5 =	sor.u32 s6, s5;
	_ =	strace $0x80000047  }
0xa: {  	s29 =	sshrl.u32 s4, $0x1;
	s7 =	sadd.s32 s5, s3;
	s30 =	sadd.s32 s0, s5  }
0xb: {  	s6 =	sor.u32 $0x10000, s5;
	s31 =	sadd.s32 s1, s5;
	[dreg:$0x4] =	wrdreg s30  }
0xc: {  	s8 =	ssub.s32 s4, s29;
	[dreg:$0x5] =	wrdreg s31;
	s5 =	sadd.s32 s0, s6  }
0xd: {  	v0 =	vimm.f32 $0.0e+00;
	v1 =	vimm.f32 $1.000000000e+00;
	s6 =	sadd.s32 s1, s6;
	s7 =	sadd.s32 $0x800, s7;
	s8 =	smax.u32 s8, $0x1  }
.LBB2_1:
0xe: {  	s0 =	rddreg [dreg:$0x4]  }
0xf: {  	[tilespmem:s2], [sflag:$0x1] =	stream.strided.gather [hbm4b:s0+s9], $0x4000, s10, s9, $0x38;
	[tilespmem:$0x11000] =	vst v63  }
0x10: {  	s31 =	rddreg [dreg:$0x5];
	s1 =	simm.s32 $0x8000;
	s0 =	simm.s32 $0x10040  }
0x11: {  	[tilespmem:s1], [sflag:$0x1] =	stream.strided.gather [hbm4b:s31+s9], $0x4000, s10, s9, $0x38;
	[tilespmem:$0x11000] =	vst v63  }
0x12: {  	[tilespmem:s0+$0xFFFFFFC0] =	vst v0  }
0x13: {  	[tilespmem:s0+$0x30] =	vst v0  }
0x14: {  	[tilespmem:s0+$0x20] =	vst v0  }
0x15: {  	[tilespmem:s0+$0x10] =	vst v0  }
0x16: {  	[tilespmem:s0+$0x0] =	vst v0  }
0x17: {  	[tilespmem:s0+$0xFFFFFFF0] =	vst v0  }
0x18: {  	s1 =	simm.s32 $0x0;
	[tilespmem:s0+$0xFFFFFFE0] =	vst v0  }
.LBB2_2:
0x19: {  	s1 =	sadd.s32 $0x8, s1;
	[tilespmem:s0+$0xFFFFFFD0] =	vst v0;
	s0 =	sadd.s32 $0x80, s0  }
0x1a: {  	[tilespmem:s0+$0xFFFFFFC0] =	vst v0;
	p0 =	slt.u32 s1, $0xF8  }
0x1b: {  	[tilespmem:s0+$0x30] =	vst v0  }
.Ltmp0:
0x1c: {  	[tilespmem:s0+$0x20] =	vst v0;
	(pc) =	sbr.rel @p0 .LBB2_2-.Ltmp0, $4  }
0x1d: {  	[tilespmem:s0+$0x10] =	vst v0  }
0x1e: {  	[tilespmem:s0+$0x0] =	vst v0  }
0x1f: {  	[tilespmem:s0+$0xFFFFFFF0] =	vst v0  }
0x20: {  	[tilespmem:s0+$0xFFFFFFE0] =	vst v0  }
0x21: {  	[tilespmem:s0+$0xFFFFFFD0] =	vst v0;
	s24 =	simm.s32 $0x4000  }
0x22: {  	s25 =	simm.s32 $0xC000;
	s26 =	simm.s32 $0x100;
	_ =	swait.ge [sflag:s12], $0x4000  }
0x23: {  	s1 =	simm.s32 $0x20;
	s19 =	simm.s32 $0x20;
	[sflag:s12] =	ssyncset.done $0x0  }
0x24: {  	s20 =	simm.s32 $0x8;
	s29 =	simm.s32 $0x0;
	[sflag:s12] =	ssyncadd.s32 $0xFFFFC000  }
0x25: {  	s1 =	sand.u32 $0x70, s1;
	s0 =	sand.u32 $0xC00, s26;
	_ =	swait.ge [sflag:s12], $0x4000  }
0x26: {  	s19 =	sand.u32 $0x7000, s19;
	s0 =	sor.u32 s0, s1;
	[sflag:s12] =	ssyncset.done $0x0  }
0x27: {  	s28 =	sand.u32 $0x380, s20;
	s0 =	sor.u32 s19, s0;
	[sflag:s12] =	ssyncadd.s32 $0xFFFFC000  }
0x28: {  	[tilespmem:s24], [sflag:$0x2] =	stream.strided.gather [hbm4b:s5+s9], $0x4000, s10, s9, $0x38;
	[tilespmem:$0x11000] =	vst v63  }
0x29: {  	s30 =	simm.s32 $0x4;
	s31 =	simm.s32 $0x0;
	s0 =	sor.u32 s28, s0  }
0x2a: {  	[tilespmem:s25], [sflag:$0x2] =	stream.strided.gather [hbm4b:s6+s9], $0x4000, s10, s9, $0x38;
	[tilespmem:$0x11000] =	vst v63  }
0x2b: {  	s21 =	simm.s32 $0x10;
	s22 =	simm.s32 $0x0;
	s23 =	simm.s32 $0x0;
	v5 =	vld [tilespmem:s0+$0x0]  }
0x2c: {  	s20 =	sand.u32 $0x3000, s31;
	s22 =	sand.u32 $0x70, s22;
	s23 =	sand.u32 $0xC00, s23  }
0x2d: {  	s21 =	sand.u32 $0x7000, s21;
	s24 =	simm.s32 $0x10;
	s25 =	simm.s32 $0x80  }
0x2e: {  	s22 =	sor.u32 s23, s22;
	s2 =	sand.u32 $0x70, s24;
	s3 =	sand.u32 $0xC00, s25  }
0x2f: {  	s1 =	sand.u32 $0x380, s29;
	s20 =	sor.u32 s20, s22;
	s4 =	sor.u32 s3, s2  }
0x30: {  	s19 =	sand.u32 $0x380, s30;
	s1 =	sor.u32 s1, s20;
	s11 =	sor.u32 s21, s4;
	v2 =	vand.u32 $0x7FFFFFFF, v5  }
0x31: {  	v3 =	vld [tilespmem:s1+$0x0];
	s21 =	sor.u32 s19, s11;
	v2 =	vsub.f32 $0.0e+00, v2  }
0x32: {  	v4 =	vld [tilespmem:s21+$0x0]  }
0x33: {  	v2 =	vmul.f32 $1.442695020e+00, v2;
	_ =	sdelay $0x1  }
0x34: {  	(erf) = vpow2.f32 v2  }
0x35: {  	v2 =	vand.u32 $0x7FFFFFFF, v3  }
0x36: {  	v6 =	vand.u32 $0x7FFFFFFF, v4;
	v2 =	vsub.f32 $0.0e+00, v2  }
0x37: {  	v6 =	vsub.f32 $0.0e+00, v6  }
0x38: {  	v2 =	vmul.f32 $1.442695020e+00, v2  }
0x39: {  	v6 =	vmul.f32 $1.442695020e+00, v6  }
0x3a: {  	(erf) = vpow2.f32 v2  }
0x3b: {  	(erf) = vpow2.f32 v6;
	_ =	sdelay $0x1  }
0x3c: {  	v6 =	vpop (erf)  }
0x3d: {  	v2 =	vadd.f32 $1.000000000e+00, v6;
	_ =	sdelay $0x1  }
0x3e: {  	(erf) = vrcp.f32 v2  }
0x3f: {  	v2 =	vadd.f32 $2.000000000e+00, v6  }
0x40: {  	v10 =	vld [tilespmem:s0+$0x8000]  }
0x41: {  	v12 =	vld [tilespmem:s21+$0x8000];
	(erf) = vrcp.f32 v2;
	v9 =	vpop (erf)  }
0x42: {  	v2 =	vld [tilespmem:s1+$0x8000];
	v11 =	vpop (erf)  }
0x43: {  	s13 =	simm.s32 $0xC;
	s20 =	simm.s32 $0x50;
	s19 =	simm.s32 $0x280;
	v7 =	vadd.f32 $2.000000000e+00, v9;
	v8 =	vadd.f32 $2.000000000e+00, v11  }
0x44: {  	s28 =	simm.s32 $0x50;
	s25 =	sand.u32 $0x70, s20;
	s29 =	sand.u32 $0xC00, s19  }
0x45: {  	s26 =	simm.s32 $0x14;
	s21 =	sand.u32 $0x7000, s28;
	s0 =	sor.u32 s29, s25;
	vm0 =	vge.f32 v3, $0.0e+00;
	v15 =	vcvt.s32.f32 v10;
	(erf) = vrcp.f32 v7  }
0x46: {  	s14 =	simm.s32 $0x30;
	s31 =	sand.u32 $0x380, s26;
	vm2 =	vge.f32 v5, $0.0e+00;
	s0 =	sor.u32 s21, s0;
	v16 =	vcvt.s32.f32 v12;
	v13 =	vadd.f32 $1.000000000e+00, v9  }
0x47: {  	s22 =	simm.s32 $0x10;
	s30 =	sand.u32 $0x3000, s14;
	v10 =	vmax.f32 v3, $0.0e+00;
	s23 =	sor.u32 s31, s0;
	(erf) = vrcp.f32 v8;
	v14 =	vcvt.s32.f32 v2;
	v8 =	vpop (erf)  }
0x48: {  	s14 =	simm.s32 $0x40;
	s2 =	simm.s32 $0x30;
	s3 =	simm.s32 $0x180;
	v7 =	vadd.f32 $1.000000000e+00, v11;
	(erf) = vrcp.f32 v13;
	v2 =	vld [tilespmem:s23+$0x0];
	v13 =	vmul.f32 v8, v6  }
0x49: {  	s4 =	sand.u32 $0x380, s13;
	s13 =	sand.u32 $0xC00, s3;
	s11 =	sand.u32 $0x70, s2;
	vm0 =	vmmov vm0;
	vm1 =	vge.f32 v4, $0.0e+00;
	v12 =	vmul.f32 v16, v4  }
0x4a: {  	s26 =	sand.u32 $0x70, s14;
	s28 =	simm.s32 $0x200;
	s1 =	sor.u32 s13, s11;
	(erf) = vrcp.f32 v7;
	v3 =	vmul.f32 v14, v3;
	v7 =	vsel vm2, v8, v13;
	v8 =	vpop (erf)  }
0x4b: {  	s24 =	simm.s32 $0x40;
	s29 =	sand.u32 $0xC00, s28;
	v4 =	vmax.f32 v4, $0.0e+00;
	s1 =	sor.u32 s30, s1;
	v7 =	vsub.f32 v7, v15;
	v6 =	vmul.f32 v8, v6  }
0x4c: {  	s24 =	sand.u32 $0x7000, s24;
	s21 =	sor.u32 s29, s26;
	vm1 =	vmmov vm1;
	v4 =	vsub.f32 v4, v12;
	s0 =	sor.u32 s4, s1;
	v3 =	vsub.f32 v10, v3  }
0x4d: {  	s21 =	sor.u32 s24, s21;
	s30 =	sand.u32 $0x380, s22;
	v10 =	vand.u32 $0x7FFFFFFF, v2;
	v8 =	vld [tilespmem:s0+$0x0];
	v7 =	vand.u32 $0x7FFFFFFF, v7;
	v13 =	vmul.f32 v6, v6  }
0x4e: {  	s1 =	sor.u32 s30, s21;
	v19 =	vsub.f32 $0.0e+00, v10;
	v15 =	vmul.f32 v15, v5;
	v18 =	vpop (erf);
	v17 =	vmul.f32 $3.000000000e+01, v7  }
0x4f: {  	v5 =	vmax.f32 v5, $0.0e+00;
	v18 =	vmul.f32 v18, v9;
	v7 =	vld [tilespmem:s1+$0x0];
	v20 =	vmul.f32 $2.000000030e-01, v13  }
0x50: {  	v19 =	vmul.f32 $1.442695020e+00, v19;
	v6 =	vadd.f32 v6, v6;
	v12 =	vtrunc.f32 v17  }
0x51: {  	v10 =	vpop (erf);
	v5 =	vsub.f32 v5, v15;
	v12 =	vcvt.f32.s32 v12;
	v20 =	vadd.f32 $3.333333430e-01, v20  }
0x52: {  	v10 =	vmul.f32 v10, v11;
	(erf) = vpow2.f32 v19;
	v22 =	vand.u32 $0x7FFFFFFF, v8;
	v17 =	vpop (erf)  }
0x53: {  	v21 =	vpop (erf);
	v9 =	vmul.f32 v17, v9;
	vm2 =	vlt.s32 v12, $0x1D;
	v13 =	vmul.f32 v20, v13  }
0x54: {  	s31 =	simm.s32 $0x4;
	v19 =	vand.u32 $0x7FFFFFFF, v7;
	v20 =	vld [tilespmem:s0+$0x8000];
	vm3 =	vge.f32 v7, $0.0e+00;
	v11 =	vmul.f32 v21, v11  }
0x55: {  	s21 =	sand.u32 $0xFFFFFFC0, s31;
	v24 =	vld [tilespmem:s1+$0x8000];
	v12 =	vnsel vm2, $0x1D, v12;
	v19 =	vsub.f32 $0.0e+00, v19;
	v13 =	vadd.f32 $1.000000000e+00, v13  }
0x56: {  	vm2 =	vge.f32 v8, $0.0e+00;
	v23 =	vadd.s32 s21, v12;
	v12 =	vsub.f32 $0.0e+00, v22  }
0x57: {  	v63 =	vadd.s32 $0x20, v23;
	v19 =	vmul.f32 $1.442695020e+00, v19;
	v6 =	vmul.f32 v13, v6  }
0x58: {  	v11 =	vsel vm1, v21, v11;
	v15 =	vmul.f32 $1.442695020e+00, v12;
	v12 =	vmul.f32 v18, v18  }
0x59: {  	v13 =	vmul.f32 v10, v10;
	v25 =	vadd.f32 v6, v5;
	v6 =	vcvt.s32.f32 v20  }
0x5a: {  	(erf) = vpow2.f32 v15;
	v5 =	vcvt.s32.f32 v24;
	v15 =	vsel vm0, v17, v9  }
0x5b: {  	v9 =	vpop (erf);
	v20 =	vmul.f32 $2.000000030e-01, v13;
	(erf) = vpow2.f32 v19;
	v14 =	vsub.f32 v15, v14  }
0x5c: {  	v15 =	vmul.f32 $2.000000030e-01, v12;
	v17 =	vadd.f32 $1.000000000e+00, v9;
	v19 =	vsub.f32 v11, v16  }
0x5d: {  	v11 =	vadd.f32 v18, v18;
	v18 =	vadd.f32 $2.000000000e+00, v9;
	v14 =	vand.u32 $0x7FFFFFFF, v14  }
0x5e: {  	s25 =	simm.s32 $0x0;
	s26 =	simm.s32 $0x1;
	[tilespmem:v23+s15+$0x0] =	vst.idx.add.f32.msk $0xffff, v1;
	v16 =	vadd.f32 $3.333333430e-01, v15;
	(erf) = vrcp.f32 v17;
	v19 =	vand.u32 $0x7FFFFFFF, v19  }
0x5f: {  	s24 =	simm.s32 $0x5;
	s22 =	simm.s32 $0x4;
	s21 =	simm.s32 $0x3;
	[tilespmem:v63+s15+$0x0] =	vst.idx.add.f32.msk $0xffff, v25;
	v17 =	vadd.f32 $3.333333430e-01, v20;
	v15 =	vmul.f32 $3.000000000e+01, v14;
	v14 =	vmul.f32 $3.000000000e+01, v19  }
.LBB2_4:
0x60: {  	s28 =	sadd.s32 $0x4, s21;
	v12 =	vmul.f32 v16, v12;
	s0 =	sshll.u32 s25, $0x1;
	v10 =	vadd.f32 v10, v10  }
0x61: {  	v13 =	vmul.f32 v17, v13;
	vm1 =	vmmov vm2;
	vm0 =	vmmov vm3;
	s25 =	smov.u32 s21;
	s29 =	smov.u32 s21;
	s21 =	sadd.s32 $0x3, s21  }
0x62: {  	v16 =	vmax.f32 v8, $0.0e+00;
	s11 =	sshll.u32 s26, $0x1;
	s1 =	sshll.u32 s21, $0x2;
	s30 =	sshll.u32 s28, $0x2;
	(erf) = vrcp.f32 v18;
	v15 =	vtrunc.f32 v15  }
0x63: {  	s13 =	sshll.u32 s21, $0x4;
	s31 =	sshll.u32 s28, $0x4;
	s26 =	sand.u32 $0xFFFFFFC0, s0;
	v14 =	vtrunc.f32 v14;
	v17 =	vpop (erf);
	v15 =	vcvt.f32.s32 v15;
	v12 =	vadd.f32 $1.000000000e+00, v12  }
0x64: {  	s13 =	sand.u32 $0x3000, s13;
	s0 =	sand.u32 $0x380, s1;
	v14 =	vcvt.f32.s32 v14;
	s1 =	sand.u32 $0xFFFFFFC0, s11;
	v18 =	vadd.f32 $1.000000000e+00, v17;
	v19 =	vadd.f32 $2.000000000e+00, v17;
	v20 =	vpop (erf)  }
0x65: {  	v8 =	vmul.f32 v6, v8;
	s19 =	sadd.s32 $0x180, s19;
	s20 =	sadd.s32 $0x30, s20;
	s29 =	sadd.s32 $0x5, s29;
	v21 =	vadd.f32 $1.000000000e+00, v20;
	v22 =	vadd.f32 $2.000000000e+00, v20;
	v23 =	vld [tilespmem:s23+$0x8000]  }
0x66: {  	v24 =	vmul.f32 v5, v7;
	s14 =	sand.u32 $0xC00, s19;
	s11 =	sand.u32 $0x70, s20;
	v13 =	vadd.f32 $1.000000000e+00, v13;
	s23 =	sshll.u32 s29, $0x4;
	(erf) = vrcp.f32 v19  }
0x67: {  	v7 =	vmax.f32 v7, $0.0e+00;
	s2 =	sshll.u32 s29, $0x2;
	s11 =	sor.u32 s14, s11;
	vm2 =	vlt.s32 v15, $0x1D;
	s23 =	sand.u32 $0x7000, s23;
	(erf) = vrcp.f32 v22  }
0x68: {  	s14 =	sadd.s32 $0xFFFFFFE0, s20;
	s2 =	sand.u32 $0x380, s2;
	v11 =	vmul.f32 v12, v11;
	vm3 =	vlt.s32 v14, $0x1D;
	s11 =	sor.u32 s23, s11;
	(erf) = vrcp.f32 v18;
	v18 =	vpop (erf)  }
0x69: {  	s3 =	sadd.s32 $0xFFFFFF00, s19;
	s4 =	sadd.s32 $0xFFFFFFF0, s20;
	v8 =	vsub.f32 v16, v8;
	s23 =	sor.u32 s2, s11;
	v12 =	vmul.f32 v18, v9;
	(erf) = vrcp.f32 v21  }
0x6a: {  	vm4 =	vge.f32 v2, $0.0e+00;
	s3 =	sand.u32 $0xC00, s3;
	v10 =	vmul.f32 v13, v10;
	s2 =	sand.u32 $0x70, s14;
	s11 =	sadd.s32 $0xFFFFFF80, s19;
	v16 =	vld [tilespmem:s23+$0x0];
	v19 =	vcvt.s32.f32 v23  }
0x6b: {  	v7 =	vsub.f32 v7, v24;
	v15 =	vnsel vm2, $0x1D, v15;
	s2 =	sor.u32 s3, s2;
	s3 =	sand.u32 $0x70, s4;
	s4 =	sand.u32 $0xC00, s11;
	v12 =	vsel vm4, v18, v12;
	v13 =	vpop (erf)  }
0x6c: {  	s11 =	sand.u32 $0x7000, s31;
	s2 =	sor.u32 s13, s2;
	s3 =	sor.u32 s4, s3;
	v12 =	vsub.f32 v12, v19;
	v9 =	vmul.f32 v13, v9;
	v13 =	vnsel vm3, $0x1D, v14  }
0x6d: {  	v11 =	vadd.f32 v11, v3;
	v3 =	vmovc v8;
	s0 =	sor.u32 s0, s2;
	s2 =	sand.u32 $0x380, s30;
	s3 =	sor.u32 s11, s3;
	v14 =	vadd.s32 s26, v15;
	v13 =	vadd.s32 s1, v13  }
0x6e: {  	p0 =	slt.u32 s21, $0x3FC;
	v18 =	vadd.f32 v10, v4;
	v4 =	vmovc v7;
	s26 =	smov.u32 s22;
	s1 =	sor.u32 s2, s3;
	v8 =	vld [tilespmem:s0+$0x0];
	v12 =	vand.u32 $0x7FFFFFFF, v12;
	v15 =	vmul.f32 v9, v9  }
0x6f: {  	s22 =	smov.u32 s28;
	v22 =	vadd.s32 $0x20, v14;
	v7 =	vld [tilespmem:s1+$0x0];
	v26 =	vand.u32 $0x7FFFFFFF, v16;
	v12 =	vmul.f32 $3.000000000e+01, v12;
	v21 =	vpop (erf)  }
0x70: {  	v23 =	vld [tilespmem:s0+$0x8000];
	v24 =	vsub.f32 $0.0e+00, v26;
	v21 =	vmul.f32 v21, v17;
	v25 =	vmul.f32 $2.000000030e-01, v15;
	v10 =	vpop (erf)  }
0x71: {  	v28 =	vadd.s32 $0x20, v13;
	v26 =	vld [tilespmem:s1+$0x8000];
	v10 =	vmul.f32 v10, v20;
	v12 =	vtrunc.f32 v12;
	v27 =	vpop (erf)  }
0x72: {  	v24 =	vmul.f32 $1.442695020e+00, v24;
	v12 =	vcvt.f32.s32 v12;
	v25 =	vadd.f32 $3.333333430e-01, v25;
	v29 =	vpop (erf);
	[tilespmem:v14+s15+$0x0] =	vst.idx.add.f32.msk $0xffff, v1  }
0x73: {  	v17 =	vmul.f32 v27, v17;
	v14 =	vand.u32 $0x7FFFFFFF, v8;
	v20 =	vmul.f32 v29, v20;
	[tilespmem:v13+s15+$0x0] =	vst.idx.add.f32.msk $0xffff, v1  }
0x74: {  	s0 =	sshll.u32 s24, $0x1;
	s24 =	smov.u32 s29;
	(erf) = vpow2.f32 v24;
	vm2 =	vlt.s32 v12, $0x1D;
	v13 =	vmul.f32 v25, v15;
	[tilespmem:v22+s15+$0x0] =	vst.idx.add.f32.msk $0xffff, v11  }
0x75: {  	s0 =	sand.u32 $0xFFFFFFC0, s0;
	v11 =	vand.u32 $0x7FFFFFFF, v7;
	v15 =	vmul.f32 v19, v2;
	v12 =	vnsel vm2, $0x1D, v12  }
0x76: {  	v9 =	vadd.f32 v9, v9;
	v13 =	vadd.f32 $1.000000000e+00, v13;
	v19 =	vadd.s32 s0, v12;
	[tilespmem:v28+s15+$0x0] =	vst.idx.add.f32.msk $0xffff, v18  }
0x77: {  	v12 =	vsub.f32 $0.0e+00, v14;
	v14 =	vmax.f32 v2, $0.0e+00;
	v2 =	vmovc v16;
	v18 =	vadd.s32 $0x20, v19  }
0x78: {  	v11 =	vsub.f32 $0.0e+00, v11;
	v14 =	vsub.f32 v14, v15;
	v9 =	vmul.f32 v13, v9  }
0x79: {  	vm2 =	vge.f32 v8, $0.0e+00;
	v15 =	vmul.f32 $1.442695020e+00, v12;
	v12 =	vmul.f32 v21, v21  }
0x7a: {  	v11 =	vmul.f32 $1.442695020e+00, v11;
	v13 =	vmul.f32 v10, v10;
	v16 =	vadd.f32 v9, v14  }
0x7b: {  	vm3 =	vge.f32 v7, $0.0e+00;
	v14 =	vcvt.s32.f32 v23;
	(erf) = vpow2.f32 v15;
	[tilespmem:v19+s15+$0x0] =	vst.idx.add.f32.msk $0xffff, v1  }
0x7c: {  	v15 =	vcvt.s32.f32 v26;
	(erf) = vpow2.f32 v11;
	v11 =	vsel vm1, v27, v17;
	[tilespmem:v18+s15+$0x0] =	vst.idx.add.f32.msk $0xffff, v16  }
.Ltmp1:
0x7d: {  	v20 =	vsel vm0, v29, v20;
	v16 =	vmul.f32 $2.000000030e-01, v12;
	v9 =	vpop (erf);
	v11 =	vsub.f32 v11, v6;
	(pc) =	sbr.rel @p0 .LBB2_4-.Ltmp1, $4  }
0x7e: {  	v19 =	vmul.f32 $2.000000030e-01, v13;
	v18 =	vsub.f32 v20, v5;
	v6 =	vmovc v14;
	v5 =	vmovc v15;
	v17 =	vadd.f32 $1.000000000e+00, v9  }
0x7f: {  	v16 =	vadd.f32 $3.333333430e-01, v16;
	v14 =	vand.u32 $0x7FFFFFFF, v11;
	v11 =	vadd.f32 v21, v21  }
0x80: {  	v20 =	vand.u32 $0x7FFFFFFF, v18;
	(erf) = vrcp.f32 v17;
	v17 =	vadd.f32 $3.333333430e-01, v19  }
0x81: {  	v18 =	vadd.f32 $2.000000000e+00, v9;
	v15 =	vmul.f32 $3.000000000e+01, v14;
	v14 =	vmul.f32 $3.000000000e+01, v20  }
0x82: {  	_ = 	snop  }
0x83: {  	(erf) = vrcp.f32 v18  }
0x84: {  	v12 =	vmul.f32 v16, v12;
	v10 =	vadd.f32 v10, v10  }
0x85: {  	v13 =	vmul.f32 v17, v13;
	vm1 =	vmmov vm2;
	vm0 =	vmmov vm3;
	v16 =	vpop (erf)  }
0x86: {  	v17 =	vmax.f32 v8, $0.0e+00;
	v8 =	vmul.f32 v6, v8;
	v18 =	vadd.f32 $2.000000000e+00, v16;
	v19 =	vpop (erf)  }
0x87: {  	v15 =	vtrunc.f32 v15;
	v14 =	vtrunc.f32 v14;
	v20 =	vadd.f32 $2.000000000e+00, v19  }
0x88: {  	v21 =	vld [tilespmem:s23+$0x8000];
	v15 =	vcvt.f32.s32 v15;
	v22 =	vadd.f32 $1.000000000e+00, v16;
	(erf) = vrcp.f32 v18  }
0x89: {  	v12 =	vadd.f32 $1.000000000e+00, v12;
	v18 =	vadd.f32 $1.000000000e+00, v19;
	(erf) = vrcp.f32 v20  }
0x8a: {  	v14 =	vcvt.f32.s32 v14;
	v13 =	vadd.f32 $1.000000000e+00, v13;
	(erf) = vrcp.f32 v22  }
0x8b: {  	vm2 =	vge.f32 v2, $0.0e+00;
	v11 =	vmul.f32 v12, v11;
	v52 =	vpop (erf);
	(erf) = vrcp.f32 v18  }
0x8c: {  	v8 =	vsub.f32 v17, v8;
	v10 =	vmul.f32 v13, v10;
	v23 =	vmul.f32 v52, v9;
	v53 =	vpop (erf)  }
0x8d: {  	vm3 =	vlt.s32 v15, $0x1D;
	v18 =	vcvt.s32.f32 v21;
	v9 =	vmul.f32 v53, v9  }
0x8e: {  	v13 =	vnsel vm3, $0x1D, v15;
	v20 =	vmul.f32 v5, v7;
	v22 =	vsel vm2, v52, v23  }
0x8f: {  	s0 =	sshll.u32 s25, $0x1;
	vm2 =	vlt.s32 v14, $0x1D;
	v12 =	vsub.f32 v22, v18;
	v15 =	vmul.f32 v9, v9  }
0x90: {  	s0 =	sand.u32 $0xFFFFFFC0, s0;
	v3 =	vadd.f32 v11, v3;
	v4 =	vadd.f32 v10, v4;
	v14 =	vnsel vm2, $0x1D, v14  }
0x91: {  	s1 =	sshll.u32 s26, $0x1;
	v11 =	vand.u32 $0x7FFFFFFF, v12;
	v12 =	vadd.s32 s0, v13;
	v13 =	vpop (erf);
	v54 =	vmul.f32 $2.000000030e-01, v15  }
0x92: {  	s1 =	sand.u32 $0xFFFFFFC0, s1;
	v18 =	vmul.f32 v18, v2;
	v2 =	vmax.f32 v2, $0.0e+00;
	v10 =	vmul.f32 v13, v16;
	v13 =	vpop (erf)  }
0x93: {  	v14 =	vadd.s32 s1, v14;
	v11 =	vmul.f32 $3.000000000e+01, v11;
	v55 =	vpop (erf);
	v21 =	vadd.f32 $3.333333430e-01, v54  }
0x94: {  	v57 =	vadd.s32 $0x20, v14;
	v13 =	vmul.f32 v13, v19;
	v24 =	vpop (erf);
	v16 =	vmul.f32 v55, v16  }
0x95: {  	v9 =	vadd.f32 v9, v9;
	v19 =	vmul.f32 v24, v19;
	v15 =	vmul.f32 v21, v15  }
0x96: {  	v2 =	vsub.f32 v2, v18;
	v11 =	vtrunc.f32 v11;
	v16 =	vsel vm1, v55, v16  }
0x97: {  	v6 =	vsub.f32 v16, v6;
	v16 =	vsel vm0, v24, v19;
	v15 =	vadd.f32 $1.000000000e+00, v15  }
0x98: {  	v56 =	vadd.s32 $0x20, v12;
	v11 =	vcvt.f32.s32 v11;
	v5 =	vsub.f32 v16, v5  }
0x99: {  	v16 =	vmul.f32 v13, v13;
	v6 =	vand.u32 $0x7FFFFFFF, v6;
	v9 =	vmul.f32 v15, v9  }
0x9a: {  	v15 =	vmul.f32 v10, v10;
	v5 =	vand.u32 $0x7FFFFFFF, v5;
	v6 =	vmul.f32 $3.000000000e+01, v6  }
0x9b: {  	s20 =	sshll.u32 s24, $0x1;
	vm2 =	vlt.s32 v11, $0x1D;
	v58 =	vmul.f32 $2.000000030e-01, v16;
	v5 =	vmul.f32 $3.000000000e+01, v5  }
0x9c: {  	s0 =	sand.u32 $0xFFFFFFC0, s20;
	v11 =	vnsel vm2, $0x1D, v11;
	v19 =	vmul.f32 $2.000000030e-01, v15;
	v6 =	vtrunc.f32 v6  }
0x9d: {  	v11 =	vadd.s32 s0, v11;
	v6 =	vcvt.f32.s32 v6;
	v5 =	vtrunc.f32 v5  }
0x9e: {  	v18 =	vadd.s32 $0x20, v11;
	v19 =	vadd.f32 $3.333333430e-01, v19;
	v5 =	vcvt.f32.s32 v5  }
0x9f: {  	s21 =	sshll.u32 s21, $0x1;
	v2 =	vadd.f32 v9, v2;
	v9 =	vadd.f32 $3.333333430e-01, v58;
	vm0 =	vlt.s32 v6, $0x1D  }
0xa0: {  	s22 =	sshll.u32 s22, $0x1;
	[tilespmem:v12+s15+$0x0] =	vst.idx.add.f32.msk $0xffff, v1;
	s0 =	sand.u32 $0xFFFFFFC0, s21;
	v12 =	vmul.f32 v19, v15;
	vm1 =	vlt.s32 v5, $0x1D;
	v6 =	vnsel vm0, $0x1D, v6  }
0xa1: {  	s1 =	sand.u32 $0xFFFFFFC0, s22;
	[tilespmem:v14+s15+$0x0] =	vst.idx.add.f32.msk $0xffff, v1;
	v9 =	vmul.f32 v9, v16;
	v5 =	vnsel vm1, $0x1D, v5;
	v6 =	vadd.s32 s0, v6  }
0xa2: {  	[tilespmem:v56+s15+$0x0] =	vst.idx.add.f32.msk $0xffff, v3;
	v3 =	vadd.f32 v10, v10;
	v10 =	vadd.f32 $1.000000000e+00, v12;
	v5 =	vadd.s32 s1, v5  }
0xa3: {  	[tilespmem:v57+s15+$0x0] =	vst.idx.add.f32.msk $0xffff, v4;
	v4 =	vadd.f32 v13, v13;
	v9 =	vadd.f32 $1.000000000e+00, v9;
	v12 =	vadd.s32 $0x20, v6  }
0xa4: {  	v7 =	vmax.f32 v7, $0.0e+00;
	[tilespmem:v11+s15+$0x0] =	vst.idx.add.f32.msk $0xffff, v1;
	v3 =	vmul.f32 v10, v3;
	v10 =	vadd.s32 $0x20, v5  }
0xa5: {  	v7 =	vsub.f32 v7, v20;
	[tilespmem:v18+s15+$0x0] =	vst.idx.add.f32.msk $0xffff, v2;
	v2 =	vmul.f32 v9, v4  }
0xa6: {  	v3 =	vadd.f32 v3, v8;
	[tilespmem:v6+s15+$0x0] =	vst.idx.add.f32.msk $0xffff, v1  }
0xa7: {  	v2 =	vadd.f32 v2, v7;
	[tilespmem:v5+s15+$0x0] =	vst.idx.add.f32.msk $0xffff, v1  }
0xa8: {  	[tilespmem:v12+s15+$0x0] =	vst.idx.add.f32.msk $0xffff, v3  }
0xa9: {  	[tilespmem:v10+s15+$0x0] =	vst.idx.add.f32.msk $0xffff, v2  }
0xaa: {  	v2 =	vld [tilespmem:$0x3FF0];
	_ =	sdelay $0x4  }
0xab: {  	v3 =	vand.u32 $0x7FFFFFFF, v2  }
0xac: {  	v3 =	vsub.f32 $0.0e+00, v3;
	_ =	sdelay $0x1  }
0xad: {  	v3 =	vmul.f32 $1.442695020e+00, v3;
	_ =	sdelay $0x1  }
0xae: {  	(erf) = vpow2.f32 v3;
	_ =	sdelay $0x8  }
0xaf: {  	v3 =	vpop (erf)  }
0xb0: {  	v4 =	vadd.f32 $1.000000000e+00, v3;
	_ =	sdelay $0x1  }
0xb1: {  	(erf) = vrcp.f32 v4;
	_ =	sdelay $0x2  }
0xb2: {  	v4 =	vadd.f32 $2.000000000e+00, v3;
	_ =	sdelay $0x1  }
0xb3: {  	(erf) = vrcp.f32 v4;
	_ =	sdelay $0x2  }
0xb4: {  	v4 =	vld [tilespmem:$0xBFF0]  }
0xb5: {  	v5 =	vpop (erf)  }
0xb6: {  	v6 =	vmul.f32 v5, v3;
	_ =	sdelay $0x2  }
0xb7: {  	vm0 =	vge.f32 v2, $0.0e+00;
	v4 =	vcvt.s32.f32 v4  }
0xb8: {  	v5 =	vsel vm0, v5, v6;
	v6 =	vpop (erf)  }
0xb9: {  	v5 =	vsub.f32 v5, v4;
	v3 =	vmul.f32 v6, v3;
	_ =	sdelay $0x1  }
0xba: {  	v5 =	vand.u32 $0x7FFFFFFF, v5;
	v6 =	vmul.f32 v3, v3  }
0xbb: {  	v5 =	vmul.f32 $3.000000000e+01, v5  }
0xbc: {  	v7 =	vmul.f32 $2.000000030e-01, v6  }
0xbd: {  	v5 =	vtrunc.f32 v5  }
0xbe: {  	v5 =	vcvt.f32.s32 v5;
	v7 =	vadd.f32 $3.333333430e-01, v7;
	_ =	sdelay $0x1  }
0xbf: {  	vm0 =	vlt.s32 v5, $0x1D;
	v6 =	vmul.f32 v7, v6  }
0xc0: {  	v4 =	vmul.f32 v4, v2;
	v5 =	vnsel vm0, $0x1D, v5  }
0xc1: {  	v3 =	vadd.f32 v3, v3;
	v7 =	vadd.s32 $0x7C0, v5;
	v6 =	vadd.f32 $1.000000000e+00, v6  }
0xc2: {  	v2 =	vmax.f32 v2, $0.0e+00;
	v5 =	vadd.s32 $0x7E0, v5  }
0xc3: {  	v2 =	vsub.f32 v2, v4;
	v3 =	vmul.f32 v6, v3;
	_ =	sdelay $0x1  }
0xc4: {  	v2 =	vadd.f32 v3, v2  }
0xc5: {  	[tilespmem:v7+s15+$0x0] =	vst.idx.add.f32.msk $0xffff, v1  }
0xc6: {  	s23 =	simm.s32 $0x20100;
	s24 =	simm.s32 $0x4020;
	[tilespmem:v5+s15+$0x0] =	vst.idx.add.f32.msk $0xffff, v2  }
0xc7: {  	s2 =	simm.s32 $0x4020;
	s3 =	simm.s32 $0x1008;
	_ =	swait.ge [sflag:s16], $0x4000  }
0xc8: {  	s26 =	simm.s32 $0x1000;
	s28 =	simm.s32 $0x1004;
	[sflag:s16] =	ssyncset.done $0x0  }
0xc9: {  	s0 =	sand.u32 $0xC00, s23;
	s1 =	sand.u32 $0x70, s24;
	[sflag:s16] =	ssyncadd.s32 $0xFFFFC000  }
0xca: {  	s2 =	sand.u32 $0xF000, s2;
	s0 =	sor.u32 s0, s1;
	_ =	swait.ge [sflag:s16], $0x4000  }
0xcb: {  	s25 =	sand.u32 $0x380, s3;
	s0 =	sor.u32 s2, s0;
	[sflag:s16] =	ssyncset.done $0x0  }
0xcc: {  	s29 =	simm.s32 $0x4000;
	s0 =	sor.u32 s25, s0;
	[sflag:s16] =	ssyncadd.s32 $0xFFFFC000  }
0xcd: {  	s4 =	simm.s32 $0x4010;
	s11 =	simm.s32 $0x4000;
	s13 =	simm.s32 $0x20000;
	v5 =	vld [tilespmem:s0+$0x0]  }
0xce: {  	s14 =	simm.s32 $0x4010;
	s19 =	simm.s32 $0x20080;
	s3 =	sand.u32 $0x7000, s29  }
0xcf: {  	s11 =	sand.u32 $0x70, s11;
	s13 =	sand.u32 $0xC00, s13;
	s30 =	sand.u32 $0x70, s14  }
0xd0: {  	s31 =	sand.u32 $0xC00, s19;
	s4 =	sand.u32 $0xF000, s4;
	s11 =	sor.u32 s13, s11  }
0xd1: {  	s19 =	sor.u32 s31, s30;
	s3 =	sor.u32 s3, s11;
	s1 =	sand.u32 $0x380, s26  }
0xd2: {  	s20 =	sor.u32 s4, s19;
	s1 =	sor.u32 s1, s3;
	s2 =	sand.u32 $0x380, s28;
	v2 =	vand.u32 $0x7FFFFFFF, v5  }
0xd3: {  	s2 =	sor.u32 s2, s20;
	v3 =	vld [tilespmem:s1+$0x0];
	v2 =	vsub.f32 $0.0e+00, v2  }
0xd4: {  	v4 =	vld [tilespmem:s2+$0x0]  }
0xd5: {  	v2 =	vmul.f32 $1.442695020e+00, v2;
	_ =	sdelay $0x1  }
0xd6: {  	(erf) = vpow2.f32 v2  }
0xd7: {  	v2 =	vand.u32 $0x7FFFFFFF, v3  }
0xd8: {  	v6 =	vand.u32 $0x7FFFFFFF, v4;
	v2 =	vsub.f32 $0.0e+00, v2  }
0xd9: {  	v6 =	vsub.f32 $0.0e+00, v6  }
0xda: {  	v2 =	vmul.f32 $1.442695020e+00, v2  }
0xdb: {  	v6 =	vmul.f32 $1.442695020e+00, v6  }
0xdc: {  	(erf) = vpow2.f32 v2  }
0xdd: {  	(erf) = vpow2.f32 v6;
	_ =	sdelay $0x1  }
0xde: {  	v6 =	vpop (erf)  }
0xdf: {  	v2 =	vadd.f32 $1.000000000e+00, v6;
	_ =	sdelay $0x1  }
0xe0: {  	(erf) = vrcp.f32 v2  }
0xe1: {  	v2 =	vadd.f32 $2.000000000e+00, v6  }
0xe2: {  	v10 =	vld [tilespmem:s0+$0x8000]  }
0xe3: {  	v12 =	vld [tilespmem:s2+$0x8000];
	(erf) = vrcp.f32 v2;
	v9 =	vpop (erf)  }
0xe4: {  	v2 =	vld [tilespmem:s1+$0x8000];
	v11 =	vpop (erf)  }
0xe5: {  	s29 =	simm.s32 $0x4030;
	s19 =	simm.s32 $0x20280;
	s20 =	simm.s32 $0x4050;
	v7 =	vadd.f32 $2.000000000e+00, v9;
	v8 =	vadd.f32 $2.000000000e+00, v11  }
0xe6: {  	s24 =	simm.s32 $0x4050;
	s25 =	sand.u32 $0xC00, s19;
	s23 =	sand.u32 $0x70, s20  }
0xe7: {  	s26 =	simm.s32 $0x1014;
	s2 =	sand.u32 $0xF000, s24;
	s0 =	sor.u32 s25, s23;
	vm0 =	vge.f32 v3, $0.0e+00;
	vm1 =	vge.f32 v4, $0.0e+00;
	(erf) = vrcp.f32 v7  }
0xe8: {  	s30 =	simm.s32 $0x20180;
	s28 =	sand.u32 $0x380, s26;
	s0 =	sor.u32 s2, s0;
	v15 =	vcvt.s32.f32 v10;
	v16 =	vcvt.s32.f32 v12;
	v13 =	vadd.f32 $1.000000000e+00, v9  }
0xe9: {  	s11 =	simm.s32 $0x4040;
	s22 =	simm.s32 $0x4030;
	s23 =	sor.u32 s28, s0;
	vm2 =	vge.f32 v5, $0.0e+00;
	(erf) = vrcp.f32 v8;
	v14 =	vcvt.s32.f32 v2;
	v8 =	vpop (erf)  }
0xea: {  	s4 =	sand.u32 $0x7000, s22;
	s22 =	sand.u32 $0xC00, s30;
	s21 =	simm.s32 $0x100C;
	v7 =	vadd.f32 $1.000000000e+00, v11;
	(erf) = vrcp.f32 v13;
	v2 =	vld [tilespmem:s23+$0x0];
	v13 =	vmul.f32 v8, v6  }
0xeb: {  	s31 =	sand.u32 $0x380, s21;
	s21 =	sand.u32 $0x70, s29;
	s29 =	sand.u32 $0xF000, s11;
	v10 =	vmax.f32 v3, $0.0e+00;
	vm0 =	vmmov vm0;
	v12 =	vmul.f32 v16, v4  }
0xec: {  	s24 =	simm.s32 $0x4040;
	s25 =	simm.s32 $0x20200;
	s1 =	sor.u32 s22, s21;
	(erf) = vrcp.f32 v7;
	v3 =	vmul.f32 v14, v3;
	v7 =	vsel vm2, v8, v13;
	v8 =	vpop (erf)  }
0xed: {  	s26 =	sand.u32 $0x70, s24;
	s28 =	sand.u32 $0xC00, s25;
	v4 =	vmax.f32 v4, $0.0e+00;
	s1 =	sor.u32 s4, s1;
	v7 =	vsub.f32 v7, v15;
	v6 =	vmul.f32 v8, v6  }
0xee: {  	s3 =	simm.s32 $0x1010;
	s2 =	sor.u32 s28, s26;
	vm1 =	vmmov vm1;
	v4 =	vsub.f32 v4, v12;
	s0 =	sor.u32 s31, s1;
	v3 =	vsub.f32 v10, v3  }
0xef: {  	s30 =	sand.u32 $0x380, s3;
	s2 =	sor.u32 s29, s2;
	v10 =	vand.u32 $0x7FFFFFFF, v2;
	v8 =	vld [tilespmem:s0+$0x0];
	v7 =	vand.u32 $0x7FFFFFFF, v7;
	v13 =	vmul.f32 v6, v6  }
0xf0: {  	s1 =	sor.u32 s30, s2;
	v19 =	vsub.f32 $0.0e+00, v10;
	v15 =	vmul.f32 v15, v5;
	v18 =	vpop (erf);
	v17 =	vmul.f32 $3.000000000e+01, v7  }
0xf1: {  	v5 =	vmax.f32 v5, $0.0e+00;
	v18 =	vmul.f32 v18, v9;
	v7 =	vld [tilespmem:s1+$0x0];
	v20 =	vmul.f32 $2.000000030e-01, v13  }
0xf2: {  	v19 =	vmul.f32 $1.442695020e+00, v19;
	v6 =	vadd.f32 v6, v6;
	v12 =	vtrunc.f32 v17  }
0xf3: {  	v10 =	vpop (erf);
	v5 =	vsub.f32 v5, v15;
	v12 =	vcvt.f32.s32 v12;
	v20 =	vadd.f32 $3.333333430e-01, v20  }
0xf4: {  	v10 =	vmul.f32 v10, v11;
	(erf) = vpow2.f32 v19;
	v60 =	vand.u32 $0x7FFFFFFF, v8;
	v17 =	vpop (erf)  }
0xf5: {  	v59 =	vpop (erf);
	v9 =	vmul.f32 v17, v9;
	vm2 =	vlt.s32 v12, $0x1D;
	v13 =	vmul.f32 v20, v13  }
0xf6: {  	s31 =	simm.s32 $0x804;
	v19 =	vand.u32 $0x7FFFFFFF, v7;
	v20 =	vld [tilespmem:s0+$0x8000];
	vm3 =	vge.f32 v7, $0.0e+00;
	v11 =	vmul.f32 v59, v11  }
0xf7: {  	s2 =	sand.u32 $0xFFFFFFC0, s31;
	v62 =	vld [tilespmem:s1+$0x8000];
	v12 =	vnsel vm2, $0x1D, v12;
	v19 =	vsub.f32 $0.0e+00, v19;
	v13 =	vadd.f32 $1.000000000e+00, v13  }
0xf8: {  	vm2 =	vge.f32 v8, $0.0e+00;
	v61 =	vadd.s32 s2, v12;
	v12 =	vsub.f32 $0.0e+00, v60  }
0xf9: {  	v63 =	vadd.s32 $0x20, v61;
	v19 =	vmul.f32 $1.442695020e+00, v19;
	v6 =	vmul.f32 v13, v6  }
0xfa: {  	v11 =	vsel vm1, v59, v11;
	v15 =	vmul.f32 $1.442695020e+00, v12;
	v12 =	vmul.f32 v18, v18  }
0xfb: {  	v13 =	vmul.f32 v10, v10;
	v25 =	vadd.f32 v6, v5;
	v6 =	vcvt.s32.f32 v20  }
0xfc: {  	(erf) = vpow2.f32 v15;
	v5 =	vcvt.s32.f32 v62;
	v15 =	vsel vm0, v17, v9  }
0xfd: {  	v9 =	vpop (erf);
	v20 =	vmul.f32 $2.000000030e-01, v13;
	(erf) = vpow2.f32 v19;
	v14 =	vsub.f32 v15, v14  }
0xfe: {  	v15 =	vmul.f32 $2.000000030e-01, v12;
	v17 =	vadd.f32 $1.000000000e+00, v9;
	v19 =	vsub.f32 v11, v16  }
0xff: {  	s24 =	simm.s32 $0x405;
	v11 =	vadd.f32 v18, v18;
	v18 =	vadd.f32 $2.000000000e+00, v9;
	v14 =	vand.u32 $0x7FFFFFFF, v14  }
0x100: {  	s25 =	simm.s32 $0x400;
	s26 =	simm.s32 $0x401;
	[tilespmem:v61+s15+$0x0] =	vst.idx.add.f32.msk $0xffff, v1;
	v16 =	vadd.f32 $3.333333430e-01, v15;
	(erf) = vrcp.f32 v17;
	v19 =	vand.u32 $0x7FFFFFFF, v19  }
0x101: {  	s21 =	simm.s32 $0x403;
	s22 =	simm.s32 $0x404;
	[tilespmem:v63+s15+$0x0] =	vst.idx.add.f32.msk $0xffff, v25;
	v17 =	vadd.f32 $3.333333430e-01, v20;
	v15 =	vmul.f32 $3.000000000e+01, v14;
	v14 =	vmul.f32 $3.000000000e+01, v19  }
.LBB2_6:
0x102: {  	s28 =	sadd.s32 $0x4, s21;
	v12 =	vmul.f32 v16, v12;
	s0 =	sshll.u32 s25, $0x1;
	v10 =	vadd.f32 v10, v10  }
0x103: {  	v13 =	vmul.f32 v17, v13;
	vm1 =	vmmov vm2;
	vm0 =	vmmov vm3;
	s25 =	smov.u32 s21;
	s2 =	smov.u32 s21;
	s21 =	sadd.s32 $0x3, s21  }
0x104: {  	v16 =	vmax.f32 v8, $0.0e+00;
	s3 =	sshll.u32 s26, $0x1;
	s1 =	sshll.u32 s21, $0x2;
	s30 =	sshll.u32 s28, $0x2;
	(erf) = vrcp.f32 v18;
	v15 =	vtrunc.f32 v15  }
0x105: {  	s4 =	sshll.u32 s21, $0x4;
	s31 =	sshll.u32 s28, $0x4;
	s26 =	sand.u32 $0xFFFFFFC0, s0;
	v14 =	vtrunc.f32 v14;
	v17 =	vpop (erf);
	v15 =	vcvt.f32.s32 v15;
	v12 =	vadd.f32 $1.000000000e+00, v12  }
0x106: {  	s4 =	sand.u32 $0x7000, s4;
	s0 =	sand.u32 $0x380, s1;
	v14 =	vcvt.f32.s32 v14;
	s1 =	sand.u32 $0xFFFFFFC0, s3;
	v18 =	vadd.f32 $1.000000000e+00, v17;
	v19 =	vadd.f32 $2.000000000e+00, v17;
	v20 =	vpop (erf)  }
0x107: {  	v8 =	vmul.f32 v6, v8;
	s19 =	sadd.s32 $0x180, s19;
	s20 =	sadd.s32 $0x30, s20;
	s29 =	sadd.s32 $0x5, s2;
	v21 =	vadd.f32 $1.000000000e+00, v20;
	v22 =	vadd.f32 $2.000000000e+00, v20;
	v23 =	vld [tilespmem:s23+$0x8000]  }
0x108: {  	v24 =	vmul.f32 v5, v7;
	s2 =	sand.u32 $0x70, s20;
	s11 =	sand.u32 $0xC00, s19;
	s3 =	sshll.u32 s29, $0x4;
	v13 =	vadd.f32 $1.000000000e+00, v13;
	(erf) = vrcp.f32 v19  }
0x109: {  	v7 =	vmax.f32 v7, $0.0e+00;
	s13 =	sshll.u32 s29, $0x2;
	s2 =	sor.u32 s11, s2;
	s3 =	sand.u32 $0xF000, s3;
	vm2 =	vlt.s32 v15, $0x1D;
	(erf) = vrcp.f32 v22  }
0x10a: {  	s11 =	sadd.s32 $0xFFFFFFE0, s20;
	s13 =	sand.u32 $0x380, s13;
	s2 =	sor.u32 s3, s2;
	v11 =	vmul.f32 v12, v11;
	vm3 =	vlt.s32 v14, $0x1D;
	(erf) = vrcp.f32 v18;
	v18 =	vpop (erf)  }
0x10b: {  	s14 =	sadd.s32 $0xFFFFFFF0, s20;
	v8 =	vsub.f32 v16, v8;
	s3 =	sadd.s32 $0xFFFFFF00, s19;
	s23 =	sor.u32 s13, s2;
	v12 =	vmul.f32 v18, v9;
	(erf) = vrcp.f32 v21  }
0x10c: {  	vm4 =	vge.f32 v2, $0.0e+00;
	v10 =	vmul.f32 v13, v10;
	s2 =	sand.u32 $0x70, s11;
	s3 =	sand.u32 $0xC00, s3;
	s11 =	sadd.s32 $0xFFFFFF80, s19;
	v16 =	vld [tilespmem:s23+$0x0];
	v19 =	vcvt.s32.f32 v23  }
0x10d: {  	v7 =	vsub.f32 v7, v24;
	v15 =	vnsel vm2, $0x1D, v15;
	s2 =	sor.u32 s3, s2;
	s3 =	sand.u32 $0x70, s14;
	s11 =	sand.u32 $0xC00, s11;
	v12 =	vsel vm4, v18, v12;
	v13 =	vpop (erf)  }
0x10e: {  	s2 =	sor.u32 s4, s2;
	s4 =	sand.u32 $0xF000, s31;
	s3 =	sor.u32 s11, s3;
	v12 =	vsub.f32 v12, v19;
	v9 =	vmul.f32 v13, v9;
	v13 =	vnsel vm3, $0x1D, v14  }
0x10f: {  	v11 =	vadd.f32 v11, v3;
	v3 =	vmovc v8;
	s0 =	sor.u32 s0, s2;
	s2 =	sand.u32 $0x380, s30;
	s3 =	sor.u32 s4, s3;
	v14 =	vadd.s32 s26, v15;
	v13 =	vadd.s32 s1, v13  }
0x110: {  	p0 =	slt.u32 s21, $0x7FC;
	v18 =	vadd.f32 v10, v4;
	v4 =	vmovc v7;
	s26 =	smov.u32 s22;
	s1 =	sor.u32 s2, s3;
	v8 =	vld [tilespmem:s0+$0x0];
	v12 =	vand.u32 $0x7FFFFFFF, v12;
	v15 =	vmul.f32 v9, v9  }
0x111: {  	s22 =	smov.u32 s28;
	v22 =	vadd.s32 $0x20, v14;
	v7 =	vld [tilespmem:s1+$0x0];
	v26 =	vand.u32 $0x7FFFFFFF, v16;
	v12 =	vmul.f32 $3.000000000e+01, v12;
	v21 =	vpop (erf)  }
0x112: {  	v23 =	vld [tilespmem:s0+$0x8000];
	v24 =	vsub.f32 $0.0e+00, v26;
	v21 =	vmul.f32 v21, v17;
	v25 =	vmul.f32 $2.000000030e-01, v15;
	v10 =	vpop (erf)  }
0x113: {  	v28 =	vadd.s32 $0x20, v13;
	v26 =	vld [tilespmem:s1+$0x8000];
	v10 =	vmul.f32 v10, v20;
	v12 =	vtrunc.f32 v12;
	v27 =	vpop (erf)  }
0x114: {  	v24 =	vmul.f32 $1.442695020e+00, v24;
	v12 =	vcvt.f32.s32 v12;
	v25 =	vadd.f32 $3.333333430e-01, v25;
	v29 =	vpop (erf);
	[tilespmem:v14+s15+$0x0] =	vst.idx.add.f32.msk $0xffff, v1  }
0x115: {  	v17 =	vmul.f32 v27, v17;
	v14 =	vand.u32 $0x7FFFFFFF, v8;
	v20 =	vmul.f32 v29, v20;
	[tilespmem:v13+s15+$0x0] =	vst.idx.add.f32.msk $0xffff, v1  }
0x116: {  	s0 =	sshll.u32 s24, $0x1;
	s24 =	smov.u32 s29;
	(erf) = vpow2.f32 v24;
	vm2 =	vlt.s32 v12, $0x1D;
	v13 =	vmul.f32 v25, v15;
	[tilespmem:v22+s15+$0x0] =	vst.idx.add.f32.msk $0xffff, v11  }
0x117: {  	s0 =	sand.u32 $0xFFFFFFC0, s0;
	v11 =	vand.u32 $0x7FFFFFFF, v7;
	v15 =	vmul.f32 v19, v2;
	v12 =	vnsel vm2, $0x1D, v12  }
0x118: {  	v9 =	vadd.f32 v9, v9;
	v13 =	vadd.f32 $1.000000000e+00, v13;
	v19 =	vadd.s32 s0, v12;
	[tilespmem:v28+s15+$0x0] =	vst.idx.add.f32.msk $0xffff, v18  }
0x119: {  	v12 =	vsub.f32 $0.0e+00, v14;
	v14 =	vmax.f32 v2, $0.0e+00;
	v2 =	vmovc v16;
	v18 =	vadd.s32 $0x20, v19  }
0x11a: {  	v11 =	vsub.f32 $0.0e+00, v11;
	v14 =	vsub.f32 v14, v15;
	v9 =	vmul.f32 v13, v9  }
0x11b: {  	vm2 =	vge.f32 v8, $0.0e+00;
	v15 =	vmul.f32 $1.442695020e+00, v12;
	v12 =	vmul.f32 v21, v21  }
0x11c: {  	v11 =	vmul.f32 $1.442695020e+00, v11;
	v13 =	vmul.f32 v10, v10;
	v16 =	vadd.f32 v9, v14  }
0x11d: {  	vm3 =	vge.f32 v7, $0.0e+00;
	v14 =	vcvt.s32.f32 v23;
	(erf) = vpow2.f32 v15;
	[tilespmem:v19+s15+$0x0] =	vst.idx.add.f32.msk $0xffff, v1  }
0x11e: {  	v15 =	vcvt.s32.f32 v26;
	(erf) = vpow2.f32 v11;
	v11 =	vsel vm1, v27, v17;
	[tilespmem:v18+s15+$0x0] =	vst.idx.add.f32.msk $0xffff, v16  }
.Ltmp2:
0x11f: {  	v20 =	vsel vm0, v29, v20;
	v16 =	vmul.f32 $2.000000030e-01, v12;
	v9 =	vpop (erf);
	v11 =	vsub.f32 v11, v6;
	(pc) =	sbr.rel @p0 .LBB2_6-.Ltmp2, $4  }
0x120: {  	v19 =	vmul.f32 $2.000000030e-01, v13;
	v18 =	vsub.f32 v20, v5;
	v6 =	vmovc v14;
	v5 =	vmovc v15;
	v17 =	vadd.f32 $1.000000000e+00, v9  }
0x121: {  	v16 =	vadd.f32 $3.333333430e-01, v16;
	v14 =	vand.u32 $0x7FFFFFFF, v11;
	v11 =	vadd.f32 v21, v21  }
0x122: {  	v20 =	vand.u32 $0x7FFFFFFF, v18;
	(erf) = vrcp.f32 v17;
	v17 =	vadd.f32 $3.333333430e-01, v19  }
0x123: {  	v18 =	vadd.f32 $2.000000000e+00, v9;
	v15 =	vmul.f32 $3.000000000e+01, v14;
	v14 =	vmul.f32 $3.000000000e+01, v20  }
0x124: {  	_ = 	snop  }
0x125: {  	v12 =	vmul.f32 v16, v12;
	v10 =	vadd.f32 v10, v10;
	v13 =	vmul.f32 v17, v13  }
0x126: {  	vm1 =	vmmov vm2;
	vm0 =	vmmov vm3;
	(erf) = vrcp.f32 v18;
	v55 =	vpop (erf)  }
0x127: {  	v56 =	vmax.f32 v8, $0.0e+00;
	v58 =	vmul.f32 v6, v8;
	v57 =	vadd.f32 $2.000000000e+00, v55;
	v19 =	vpop (erf)  }
0x128: {  	v60 =	vmul.f32 v5, v7;
	v62 =	vmax.f32 v7, $0.0e+00;
	v20 =	vadd.f32 $2.000000000e+00, v19  }
0x129: {  	v15 =	vtrunc.f32 v15;
	v22 =	vadd.f32 $1.000000000e+00, v55;
	(erf) = vrcp.f32 v57  }
0x12a: {  	v21 =	vld [tilespmem:s23+$0x8000];
	v14 =	vtrunc.f32 v14;
	v59 =	vadd.f32 $1.000000000e+00, v19;
	(erf) = vrcp.f32 v20  }
0x12b: {  	v15 =	vcvt.f32.s32 v15;
	v12 =	vadd.f32 $1.000000000e+00, v12;
	(erf) = vrcp.f32 v22  }
0x12c: {  	v14 =	vcvt.f32.s32 v14;
	v13 =	vadd.f32 $1.000000000e+00, v13;
	v61 =	vpop (erf);
	(erf) = vrcp.f32 v59  }
0x12d: {  	vm8 =	vge.f32 v2, $0.0e+00;
	vm9 =	vlt.s32 v15, $0x1D;
	v11 =	vmul.f32 v12, v11  }
0x12e: {  	vm10 =	vlt.s32 v14, $0x1D;
	v10 =	vmul.f32 v13, v10;
	v23 =	vmul.f32 v61, v9  }
0x12f: {  	s0 =	sshll.u32 s25, $0x1;
	s1 =	sshll.u32 s26, $0x1;
	v63 =	vcvt.s32.f32 v21;
	v31 =	vnsel vm9, $0x1D, v15;
	v14 =	vnsel vm10, $0x1D, v14;
	v28 =	vpop (erf)  }
0x130: {  	s0 =	sand.u32 $0xFFFFFFC0, s0;
	s1 =	sand.u32 $0xFFFFFFC0, s1;
	v3 =	vadd.f32 v11, v3;
	v22 =	vsel vm8, v61, v23;
	v29 =	vmul.f32 v28, v9  }
0x131: {  	v34 =	vadd.s32 s0, v31;
	v14 =	vadd.s32 s1, v14;
	v30 =	vsub.f32 v22, v63  }
0x132: {  	v4 =	vadd.f32 v10, v4;
	v40 =	vadd.s32 $0x20, v34;
	v32 =	vmul.f32 v29, v29;
	v35 =	vpop (erf)  }
0x133: {  	v41 =	vadd.s32 $0x20, v14;
	v18 =	vmul.f32 v63, v2;
	v33 =	vand.u32 $0x7FFFFFFF, v30;
	v38 =	vpop (erf)  }
0x134: {  	v2 =	vmax.f32 v2, $0.0e+00;
	v11 =	vmul.f32 $3.000000000e+01, v33;
	v36 =	vmul.f32 $2.000000030e-01, v32;
	v39 =	vpop (erf)  }
0x135: {  	v2 =	vsub.f32 v2, v18;
	v37 =	vmul.f32 v35, v55;
	v24 =	vpop (erf);
	v16 =	vmul.f32 v39, v55  }
0x136: {  	v9 =	vadd.f32 v29, v29;
	v13 =	vmul.f32 v38, v19;
	v19 =	vmul.f32 v24, v19  }
0x137: {  	v11 =	vtrunc.f32 v11;
	v21 =	vadd.f32 $3.333333430e-01, v36;
	v16 =	vsel vm1, v39, v16  }
0x138: {  	v11 =	vcvt.f32.s32 v11;
	v42 =	vsub.f32 v16, v6;
	v43 =	vsel vm0, v24, v19  }
0x139: {  	v45 =	vmul.f32 v37, v37;
	v46 =	vmul.f32 v13, v13;
	v44 =	vsub.f32 v43, v5  }
0x13a: {  	v15 =	vmul.f32 v21, v32;
	vm11 =	vlt.s32 v11, $0x1D;
	v6 =	vand.u32 $0x7FFFFFFF, v42  }
0x13b: {  	s29 =	sshll.u32 s24, $0x1;
	v47 =	vmul.f32 $2.000000030e-01, v45;
	v5 =	vand.u32 $0x7FFFFFFF, v44;
	v6 =	vmul.f32 $3.000000000e+01, v6  }
0x13c: {  	s0 =	sand.u32 $0xFFFFFFC0, s29;
	v11 =	vnsel vm11, $0x1D, v11;
	v48 =	vmul.f32 $2.000000030e-01, v46;
	v5 =	vmul.f32 $3.000000000e+01, v5  }
0x13d: {  	v15 =	vadd.f32 $1.000000000e+00, v15;
	v11 =	vadd.s32 s0, v11;
	v6 =	vtrunc.f32 v6  }
0x13e: {  	v19 =	vadd.f32 $3.333333430e-01, v47;
	v6 =	vcvt.f32.s32 v6;
	v5 =	vtrunc.f32 v5  }
0x13f: {  	v49 =	vadd.s32 $0x20, v11;
	v9 =	vmul.f32 v15, v9;
	v5 =	vcvt.f32.s32 v5  }
0x140: {  	s30 =	sshll.u32 s21, $0x1;
	v50 =	vadd.f32 $3.333333430e-01, v48;
	v51 =	vmul.f32 v19, v45;
	vm12 =	vlt.s32 v6, $0x1D  }
0x141: {  	s31 =	sshll.u32 s22, $0x1;
	[tilespmem:v34+s15+$0x0] =	vst.idx.add.f32.msk $0xffff, v1;
	s0 =	sand.u32 $0xFFFFFFC0, s30;
	v2 =	vadd.f32 v9, v2;
	vm13 =	vlt.s32 v5, $0x1D;
	v6 =	vnsel vm12, $0x1D, v6  }
0x142: {  	s1 =	sand.u32 $0xFFFFFFC0, s31;
	[tilespmem:v14+s15+$0x0] =	vst.idx.add.f32.msk $0xffff, v1;
	v9 =	vmul.f32 v50, v46;
	v5 =	vnsel vm13, $0x1D, v5;
	v6 =	vadd.s32 s0, v6  }
0x143: {  	[tilespmem:v40+s15+$0x0] =	vst.idx.add.f32.msk $0xffff, v3;
	v3 =	vadd.f32 v37, v37;
	v52 =	vadd.f32 $1.000000000e+00, v51;
	v5 =	vadd.s32 s1, v5  }
0x144: {  	[tilespmem:v41+s15+$0x0] =	vst.idx.add.f32.msk $0xffff, v4;
	v53 =	vadd.f32 v13, v13;
	v9 =	vadd.f32 $1.000000000e+00, v9;
	v54 =	vadd.s32 $0x20, v6  }
0x145: {  	v8 =	vsub.f32 v56, v58;
	[tilespmem:v11+s15+$0x0] =	vst.idx.add.f32.msk $0xffff, v1;
	v3 =	vmul.f32 v52, v3;
	v55 =	vadd.s32 $0x20, v5  }
0x146: {  	v7 =	vsub.f32 v62, v60;
	[tilespmem:v49+s15+$0x0] =	vst.idx.add.f32.msk $0xffff, v2;
	v2 =	vmul.f32 v9, v53  }
0x147: {  	v3 =	vadd.f32 v3, v8;
	[tilespmem:v6+s15+$0x0] =	vst.idx.add.f32.msk $0xffff, v1  }
0x148: {  	v2 =	vadd.f32 v2, v7;
	[tilespmem:v5+s15+$0x0] =	vst.idx.add.f32.msk $0xffff, v1  }
0x149: {  	[tilespmem:v54+s15+$0x0] =	vst.idx.add.f32.msk $0xffff, v3  }
0x14a: {  	[tilespmem:v55+s15+$0x0] =	vst.idx.add.f32.msk $0xffff, v2  }
0x14b: {  	v2 =	vld [tilespmem:$0x7FF0];
	_ =	sdelay $0x4  }
0x14c: {  	v3 =	vand.u32 $0x7FFFFFFF, v2  }
0x14d: {  	v3 =	vsub.f32 $0.0e+00, v3;
	_ =	sdelay $0x1  }
0x14e: {  	v3 =	vmul.f32 $1.442695020e+00, v3;
	_ =	sdelay $0x1  }
0x14f: {  	(erf) = vpow2.f32 v3;
	_ =	sdelay $0x8  }
0x150: {  	v3 =	vpop (erf)  }
0x151: {  	v56 =	vadd.f32 $1.000000000e+00, v3;
	_ =	sdelay $0x1  }
0x152: {  	(erf) = vrcp.f32 v56  }
0x153: {  	v57 =	vadd.f32 $2.000000000e+00, v3;
	_ =	sdelay $0x1  }
0x154: {  	(erf) = vrcp.f32 v57;
	_ =	sdelay $0x2  }
0x155: {  	v58 =	vld [tilespmem:$0xFFF0];
	_ =	sdelay $0x2  }
0x156: {  	v59 =	vpop (erf)  }
0x157: {  	v60 =	vmul.f32 v59, v3  }
0x158: {  	v4 =	vcvt.s32.f32 v58;
	vm14 =	vge.f32 v2, $0.0e+00  }
0x159: {  	v61 =	vpop (erf);
	v5 =	vsel vm14, v59, v60  }
0x15a: {  	v3 =	vmul.f32 v61, v3;
	v5 =	vsub.f32 v5, v4;
	_ =	sdelay $0x1  }
0x15b: {  	v6 =	vmul.f32 v3, v3;
	v5 =	vand.u32 $0x7FFFFFFF, v5  }
0x15c: {  	v5 =	vmul.f32 $3.000000000e+01, v5  }
0x15d: {  	v62 =	vmul.f32 $2.000000030e-01, v6  }
0x15e: {  	v5 =	vtrunc.f32 v5  }
0x15f: {  	v7 =	vadd.f32 $3.333333430e-01, v62;
	v5 =	vcvt.f32.s32 v5;
	_ =	sdelay $0x1  }
0x160: {  	v6 =	vmul.f32 v7, v6;
	vm15 =	vlt.s32 v5, $0x1D  }
0x161: {  	v3 =	vadd.f32 v3, v3;
	v5 =	vnsel vm15, $0x1D, v5  }
0x162: {  	v4 =	vmul.f32 v4, v2;
	v6 =	vadd.f32 $1.000000000e+00, v6;
	v63 =	vadd.s32 $0xFC0, v5  }
0x163: {  	v2 =	vmax.f32 v2, $0.0e+00;
	v5 =	vadd.s32 $0xFE0, v5  }
0x164: {  	v2 =	vsub.f32 v2, v4;
	v3 =	vmul.f32 v6, v3;
	_ =	sdelay $0x1  }
0x165: {  	s18 =	sadd.s32 $0x1, s18;
	v2 =	vadd.f32 v3, v2  }
0x166: {  	p0 =	sne.s32 s18, s8;
	[tilespmem:v63+s15+$0x0] =	vst.idx.add.f32.msk $0xffff, v1  }
.Ltmp3:
0x167: {  	s2 =	simm.s32 $0x0;
	[tilespmem:v5+s15+$0x0] =	vst.idx.add.f32.msk $0xffff, v2;
	(pc) =	sbr.rel @p0 .LBB2_1-.Ltmp3, $4  }
0x168: {  	[hbm4b:s7+s2] =	stream.linear.scatter [tilespmem:s15], [sflag:$0x3], $0x1000, $0x38;
	[tilespmem:$0x11000] =	vst v63  }
0x169: {  	_ =	swait.ge [sflag:s17], $0x1000  }
0x16a: {  	[sflag:s17] =	ssyncset.done $0x0  }
0x16b: {  	[sflag:s17] =	ssyncadd.s32 $0xFFFFF000  }
0x16c: {  	_ =	sfence.sel $0x180000  }
0x16d: {  	[bflag:$0x0] =	sbarrier.arrive $0xFFFF  }
0x16e: {  	_ =	strace $0x90000047  }
0x16f: {  	s0 =	stileid.u32;
	[bflag:$0x2] =	sbarrier.arrive $0xFFFF  }
0x170: {  	p0 =	sne.s32 s0, $0x0;
	s0 =	rddreg [dreg:$0x3]  }
0x171: {  	s0 =	sadd.s32 @!p0 $0x100000, s0  }
0x172: {  	[sflag:s0] =	ssyncadd.tile.s32 @!p0 $0x1;
	_ =	shalt  }
.Lfunc_end2:
_tile_overlayer_lowered:
.L_overlay_start_2:
0x173: {  	(tag) =	ssettag $0x2  }
0x174: {  	s0 =	rddreg [dreg:$0x0];
	s2 =	stileid.u32  }
0x175: {  	s1 =	rddreg [dreg:$0x1];
	p0 =	sne.s32 s2, $0x0  }
0x176: {  	s3 =	rddreg [dreg:$0x2];
	[bflag:$0x3] =	sbarrier.arrive $0xFFFF;
	s2 =	simm.s32 @!p0 $0x1C03  }
0x177: {  	[timem:s3], [sflag:s2] =	dma.local @!p0 [hbm:s0], s1  }
0x178: {  	s0 =	simm.s32 @!p0 $0x3  }
0x179: {  	_ =	swait.ge @!p0 [sflag:s0], s1  }
0x17a: {  	s1 =	ssub.s32 @!p0 $0x0, s1;
	[sflag:s0] =	ssyncset.done @!p0 $0x0  }
0x17b: {  	[sflag:s0] =	ssyncadd.s32 @!p0 s1  }
0x17c: {  	[bflag:$0x3] =	sbarrier.arrive $0xFFFF  }
0x17d: {  	_ =	shalt  }

</sc_bundles>
